<compile_context>
chip_gen: v7x
topology: tpu7x:2x2x1
jax: 0.10.2.dev20260603
libtpu: 0.0.44.dev20260713+nightly
codegen_flags: <defaults>
</compile_context>

<pallas_src>
import functools

import jax
import jax.numpy as jnp
from jax import lax
from jax.experimental import pallas as pl
from jax.experimental.pallas import tpu as pltpu
from jax.experimental.pallas import tpu_sc as plsc

NUM_BINS = 1024
NC = 2
NS = 16
L = 16
NW = NC * NS

CHUNK = 32768
NBUF = 2


def _hist_body(n_per_tile, x_hbm, part_hbm, buf, hist, hist2, *sems):
    wid = lax.axis_index("s") * NC + lax.axis_index("c")
    base = wid * n_per_tile
    n_chunks = n_per_tile // CHUNK

    zeros = jnp.zeros((L,), jnp.int32)
    ones = jnp.ones((L,), jnp.int32)

    @pl.loop(0, NUM_BINS // L, unroll=8)
    def _zero(i):
        hist[pl.ds(i * L, L)] = zeros
        hist2[pl.ds(i * L, L)] = zeros

    for b in range(NBUF):
        pltpu.async_copy(x_hbm.at[pl.ds(base + b * CHUNK, CHUNK)],
                         buf.at[b], sems[b])

    @pl.loop(0, n_chunks // NBUF)
    def _outer(g):
        c0 = g * NBUF
        for b in range(NBUF):
            c = c0 + b
            pltpu.make_async_copy(x_hbm.at[pl.ds(base + c * CHUNK, CHUNK)],
                                  buf.at[b], sems[b]).wait()

            @plsc.parallel_loop(0, CHUNK // (2 * L), unroll=8)
            def _inner(i):
                idx0 = buf[b, pl.ds(i * 2 * L, L)]
                idx1 = buf[b, pl.ds(i * 2 * L + L, L)]
                plsc.addupdate_scatter(hist, [idx0], ones)
                plsc.addupdate_scatter(hist2, [idx1], ones)

            nxt = c + NBUF

            @pl.when(nxt < n_chunks)
            def _refill():
                pltpu.async_copy(
                    x_hbm.at[pl.ds(base + nxt * CHUNK, CHUNK)],
                    buf.at[b], sems[b])

    @pl.loop(0, NUM_BINS // L, unroll=8)
    def _fold(j):
        hist[pl.ds(j * L, L)] = hist[pl.ds(j * L, L)] + hist2[pl.ds(j * L, L)]

    pltpu.sync_copy(hist, part_hbm.at[wid])


@jax.jit
def _sc_hist(x):
    n = x.shape[0]
    n_per_tile = n // NW
    mesh = plsc.VectorSubcoreMesh(core_axis_name="c", subcore_axis_name="s")
    body = functools.partial(_hist_body, n_per_tile)
    f = pl.kernel(
        body,
        out_type=jax.ShapeDtypeStruct((NW, NUM_BINS), jnp.int32),
        mesh=mesh,
        compiler_params=pltpu.CompilerParams(needs_layout_passes=False),
        scratch_types=[
            pltpu.VMEM((NBUF, CHUNK), jnp.int32),
            pltpu.VMEM((NUM_BINS,), jnp.int32),
            pltpu.VMEM((NUM_BINS,), jnp.int32),
        ] + [pltpu.SemaphoreType.DMA] * NBUF,
    )
    return f(x)


def _reduce_body(p_ref, o_ref):
    o_ref[...] = jnp.sum(p_ref[...], axis=0, keepdims=True)


@jax.jit
def _reduce(part):
    out = pl.pallas_call(
        _reduce_body,
        out_shape=jax.ShapeDtypeStruct((1, NUM_BINS), jnp.int32),
    )(part)
    return out.reshape(NUM_BINS)


def kernel(x):
    assert x.shape[0] % (NW * CHUNK * NBUF) == 0
    part = _sc_hist(x)
    return _reduce(part)

# --- scband reference (transcript-rebuilt; emitter-appended) ---
"""Pipeline reference for scband-my-model-61933428414326 (READ-ONLY COPY).

The authoritative reference and input builder live on the scoring server;
editing this copy changes nothing except your own understanding.
"""

import jax, jax.numpy as jnp
import numpy as np

NUM_BINS = 1024
N = 16777216

def setup_inputs(seed: int = 0) -> dict:
    key = jax.random.key(seed)
    x = jax.random.randint(key, (N,), 0, NUM_BINS, dtype=jnp.int64) if jax.config.jax_enable_x64 else jax.random.randint(key, (N,), 0, NUM_BINS, dtype=jnp.int32)
    return {"x": x}

def reference(x) -> jnp.ndarray:
    # torch.bincount on 1D integer tensor: counts occurrences of each value.
    # With values in [0, NUM_BINS), output length is max(x)+1 == NUM_BINS (whp).
    # Use explicit length for jit-compatibility; matches torch semantics here.
    return jnp.bincount(x, length=NUM_BINS)

if __name__ == "__main__":
    import jax
    _d = setup_inputs()
    print(jax.jit(kernel)(*tuple(_d.values())))

</pallas_src>

<mosaic_0001>
#map = affine_map<(d0, d1) -> (0)>
#map1 = affine_map<(d0, d1) -> (0, 0)>
module attributes {stable_mosaic.version = 14 : i64} {
  func.func @_hist_body(%arg0: i32, %arg1: i32, %arg2: memref<16777216xi32, #tpu.memory_space<hbm>>, %arg3: memref<32x1024xi32, #tpu.memory_space<hbm>>, %arg4: memref<2x32768xi32, #tpu.memory_space<vmem>>, %arg5: memref<1024xi32, #tpu.memory_space<vmem>>, %arg6: memref<1024xi32, #tpu.memory_space<vmem>>, %arg7: memref<!tpu.dma_semaphore, #tpu.memory_space<semaphore_mem>>, %arg8: memref<!tpu.dma_semaphore, #tpu.memory_space<semaphore_mem>>) attributes {dimension_semantics = [#tpu.dimension_semantics<core_parallel>, #tpu.dimension_semantics<subcore_parallel>], iteration_bounds = array<i64: 2, 16>, scalar_prefetch = 0 : i64, scratch_operands = 5 : i64, tpu.core_type = #tpu.core_type<sc_vector_subcore>, window_params = [{transform_indices = #map}, {transform_indices = #map1}]} {
    %mul3A = arith.constant 2 : i32
    %mul3A_0 = arith.muli %arg1, %mul3A : i32
    %add3A = arith.addi %mul3A_0, %arg0 : i32
    %mul3A_1 = arith.constant 524288 : i32
    %mul3A_2 = arith.muli %add3A, %mul3A_1 : i32
    %broadcast_in_dim3A = arith.constant 0 : i32
    %broadcast_in_dim3A_3 = vector.broadcast %broadcast_in_dim3A : i32 to vector<16xi32>
    %broadcast_in_dim3A_4 = arith.constant 1 : i32
    %broadcast_in_dim3A_5 = vector.broadcast %broadcast_in_dim3A_4 : i32 to vector<16xi32>
    %scan3A = arith.constant 0 : i32
    %scan3A_6 = arith.constant 64 : i32
    %scan3A_7 = arith.addi %scan3A, %scan3A_6 : i32
    %scan3A_8 = arith.constant 8 : i32
    scf.for %scan3A_41 = %scan3A to %scan3A_7 step %scan3A_8  : i32 {
      %mul3A_42 = arith.constant 1 : i32
      %mul3A_43 = arith.muli %scan3A_41, %mul3A_42 : i32
      %add3A_44 = arith.constant 0 : i32
      %add3A_45 = arith.addi %add3A_44, %mul3A_43 : i32
      %mul3A_46 = arith.constant 16 : i32
      %mul3A_47 = arith.muli %add3A_45, %mul3A_46 : i32
      %swap3A = arith.index_cast %mul3A_47 : i32 to index
      %swap3A_48 = tpu.vector_load %arg5[%swap3A] {strides = array<i32>} : memref<1024xi32, #tpu.memory_space<vmem>>, vector<16xi32>,
      tpu.vector_store %arg5[%swap3A], %broadcast_in_dim3A_3 {strides = array<i32>} : memref<1024xi32, #tpu.memory_space<vmem>>, vector<16xi32>,
      %mul3A_49 = arith.constant 16 : i32
      %mul3A_50 = arith.muli %add3A_45, %mul3A_49 : i32
      %swap3A_51 = arith.index_cast %mul3A_50 : i32 to index
      %swap3A_52 = tpu.vector_load %arg6[%swap3A_51] {strides = array<i32>} : memref<1024xi32, #tpu.memory_space<vmem>>, vector<16xi32>,
      tpu.vector_store %arg6[%swap3A_51], %broadcast_in_dim3A_3 {strides = array<i32>} : memref<1024xi32, #tpu.memory_space<vmem>>, vector<16xi32>,
      %scan3A_53 = arith.constant 1 : i32
      %scan3A_54 = arith.addi %scan3A_41, %scan3A_53 : i32
      %mul3A_55 = arith.constant 1 : i32
      %mul3A_56 = arith.muli %scan3A_54, %mul3A_55 : i32
      %add3A_57 = arith.constant 0 : i32
      %add3A_58 = arith.addi %add3A_57, %mul3A_56 : i32
      %mul3A_59 = arith.constant 16 : i32
      %mul3A_60 = arith.muli %add3A_58, %mul3A_59 : i32
      %swap3A_61 = arith.index_cast %mul3A_60 : i32 to index
      %swap3A_62 = tpu.vector_load %arg5[%swap3A_61] {strides = array<i32>} : memref<1024xi32, #tpu.memory_space<vmem>>, vector<16xi32>,
      tpu.vector_store %arg5[%swap3A_61], %broadcast_in_dim3A_3 {strides = array<i32>} : memref<1024xi32, #tpu.memory_space<vmem>>, vector<16xi32>,
      %mul3A_63 = arith.constant 16 : i32
      %mul3A_64 = arith.muli %add3A_58, %mul3A_63 : i32
      %swap3A_65 = arith.index_cast %mul3A_64 : i32 to index
      %swap3A_66 = tpu.vector_load %arg6[%swap3A_65] {strides = array<i32>} : memref<1024xi32, #tpu.memory_space<vmem>>, vector<16xi32>,
      tpu.vector_store %arg6[%swap3A_65], %broadcast_in_dim3A_3 {strides = array<i32>} : memref<1024xi32, #tpu.memory_space<vmem>>, vector<16xi32>,
      %scan3A_67 = arith.constant 2 : i32
      %scan3A_68 = arith.addi %scan3A_41, %scan3A_67 : i32
      %mul3A_69 = arith.constant 1 : i32
      %mul3A_70 = arith.muli %scan3A_68, %mul3A_69 : i32
      %add3A_71 = arith.constant 0 : i32
      %add3A_72 = arith.addi %add3A_71, %mul3A_70 : i32
      %mul3A_73 = arith.constant 16 : i32
      %mul3A_74 = arith.muli %add3A_72, %mul3A_73 : i32
      %swap3A_75 = arith.index_cast %mul3A_74 : i32 to index
      %swap3A_76 = tpu.vector_load %arg5[%swap3A_75] {strides = array<i32>} : memref<1024xi32, #tpu.memory_space<vmem>>, vector<16xi32>,
      tpu.vector_store %arg5[%swap3A_75], %broadcast_in_dim3A_3 {strides = array<i32>} : memref<1024xi32, #tpu.memory_space<vmem>>, vector<16xi32>,
      %mul3A_77 = arith.constant 16 : i32
      %mul3A_78 = arith.muli %add3A_72, %mul3A_77 : i32
      %swap3A_79 = arith.index_cast %mul3A_78 : i32 to index
      %swap3A_80 = tpu.vector_load %arg6[%swap3A_79] {strides = array<i32>} : memref<1024xi32, #tpu.memory_space<vmem>>, vector<16xi32>,
      tpu.vector_store %arg6[%swap3A_79], %broadcast_in_dim3A_3 {strides = array<i32>} : memref<1024xi32, #tpu.memory_space<vmem>>, vector<16xi32>,
      %scan3A_81 = arith.constant 3 : i32
      %scan3A_82 = arith.addi %scan3A_41, %scan3A_81 : i32
      %mul3A_83 = arith.constant 1 : i32
      %mul3A_84 = arith.muli %scan3A_82, %mul3A_83 : i32
      %add3A_85 = arith.constant 0 : i32
      %add3A_86 = arith.addi %add3A_85, %mul3A_84 : i32
      %mul3A_87 = arith.constant 16 : i32
      %mul3A_88 = arith.muli %add3A_86, %mul3A_87 : i32
      %swap3A_89 = arith.index_cast %mul3A_88 : i32 to index
      %swap3A_90 = tpu.vector_load %arg5[%swap3A_89] {strides = array<i32>} : memref<1024xi32, #tpu.memory_space<vmem>>, vector<16xi32>,
      tpu.vector_store %arg5[%swap3A_89], %broadcast_in_dim3A_3 {strides = array<i32>} : memref<1024xi32, #tpu.memory_space<vmem>>, vector<16xi32>,
      %mul3A_91 = arith.constant 16 : i32
      %mul3A_92 = arith.muli %add3A_86, %mul3A_91 : i32
      %swap3A_93 = arith.index_cast %mul3A_92 : i32 to index
      %swap3A_94 = tpu.vector_load %arg6[%swap3A_93] {strides = array<i32>} : memref<1024xi32, #tpu.memory_space<vmem>>, vector<16xi32>,
      tpu.vector_store %arg6[%swap3A_93], %broadcast_in_dim3A_3 {strides = array<i32>} : memref<1024xi32, #tpu.memory_space<vmem>>, vector<16xi32>,
      %scan3A_95 = arith.constant 4 : i32
      %scan3A_96 = arith.addi %scan3A_41, %scan3A_95 : i32
      %mul3A_97 = arith.constant 1 : i32
      %mul3A_98 = arith.muli %scan3A_96, %mul3A_97 : i32
      %add3A_99 = arith.constant 0 : i32
      %add3A_100 = arith.addi %add3A_99, %mul3A_98 : i32
      %mul3A_101 = arith.constant 16 : i32
      %mul3A_102 = arith.muli %add3A_100, %mul3A_101 : i32
      %swap3A_103 = arith.index_cast %mul3A_102 : i32 to index
      %swap3A_104 = tpu.vector_load %arg5[%swap3A_103] {strides = array<i32>} : memref<1024xi32, #tpu.memory_space<vmem>>, vector<16xi32>,
      tpu.vector_store %arg5[%swap3A_103], %broadcast_in_dim3A_3 {strides = array<i32>} : memref<1024xi32, #tpu.memory_space<vmem>>, vector<16xi32>,
      %mul3A_105 = arith.constant 16 : i32
      %mul3A_106 = arith.muli %add3A_100, %mul3A_105 : i32
      %swap3A_107 = arith.index_cast %mul3A_106 : i32 to index
      %swap3A_108 = tpu.vector_load %arg6[%swap3A_107] {strides = array<i32>} : memref<1024xi32, #tpu.memory_space<vmem>>, vector<16xi32>,
      tpu.vector_store %arg6[%swap3A_107], %broadcast_in_dim3A_3 {strides = array<i32>} : memref<1024xi32, #tpu.memory_space<vmem>>, vector<16xi32>,
      %scan3A_109 = arith.constant 5 : i32
      %scan3A_110 = arith.addi %scan3A_41, %scan3A_109 : i32
      %mul3A_111 = arith.constant 1 : i32
      %mul3A_112 = arith.muli %scan3A_110, %mul3A_111 : i32
      %add3A_113 = arith.constant 0 : i32
      %add3A_114 = arith.addi %add3A_113, %mul3A_112 : i32
      %mul3A_115 = arith.constant 16 : i32
      %mul3A_116 = arith.muli %add3A_114, %mul3A_115 : i32
      %swap3A_117 = arith.index_cast %mul3A_116 : i32 to index
      %swap3A_118 = tpu.vector_load %arg5[%swap3A_117] {strides = array<i32>} : memref<1024xi32, #tpu.memory_space<vmem>>, vector<16xi32>,
      tpu.vector_store %arg5[%swap3A_117], %broadcast_in_dim3A_3 {strides = array<i32>} : memref<1024xi32, #tpu.memory_space<vmem>>, vector<16xi32>,
      %mul3A_119 = arith.constant 16 : i32
      %mul3A_120 = arith.muli %add3A_114, %mul3A_119 : i32
      %swap3A_121 = arith.index_cast %mul3A_120 : i32 to index
      %swap3A_122 = tpu.vector_load %arg6[%swap3A_121] {strides = array<i32>} : memref<1024xi32, #tpu.memory_space<vmem>>, vector<16xi32>,
      tpu.vector_store %arg6[%swap3A_121], %broadcast_in_dim3A_3 {strides = array<i32>} : memref<1024xi32, #tpu.memory_space<vmem>>, vector<16xi32>,
      %scan3A_123 = arith.constant 6 : i32
      %scan3A_124 = arith.addi %scan3A_41, %scan3A_123 : i32
      %mul3A_125 = arith.constant 1 : i32
      %mul3A_126 = arith.muli %scan3A_124, %mul3A_125 : i32
      %add3A_127 = arith.constant 0 : i32
      %add3A_128 = arith.addi %add3A_127, %mul3A_126 : i32
      %mul3A_129 = arith.constant 16 : i32
      %mul3A_130 = arith.muli %add3A_128, %mul3A_129 : i32
      %swap3A_131 = arith.index_cast %mul3A_130 : i32 to index
      %swap3A_132 = tpu.vector_load %arg5[%swap3A_131] {strides = array<i32>} : memref<1024xi32, #tpu.memory_space<vmem>>, vector<16xi32>,
      tpu.vector_store %arg5[%swap3A_131], %broadcast_in_dim3A_3 {strides = array<i32>} : memref<1024xi32, #tpu.memory_space<vmem>>, vector<16xi32>,
      %mul3A_133 = arith.constant 16 : i32
      %mul3A_134 = arith.muli %add3A_128, %mul3A_133 : i32
      %swap3A_135 = arith.index_cast %mul3A_134 : i32 to index
      %swap3A_136 = tpu.vector_load %arg6[%swap3A_135] {strides = array<i32>} : memref<1024xi32, #tpu.memory_space<vmem>>, vector<16xi32>,
      tpu.vector_store %arg6[%swap3A_135], %broadcast_in_dim3A_3 {strides = array<i32>} : memref<1024xi32, #tpu.memory_space<vmem>>, vector<16xi32>,
      %scan3A_137 = arith.constant 7 : i32
      %scan3A_138 = arith.addi %scan3A_41, %scan3A_137 : i32
      %mul3A_139 = arith.constant 1 : i32
      %mul3A_140 = arith.muli %scan3A_138, %mul3A_139 : i32
      %add3A_141 = arith.constant 0 : i32
      %add3A_142 = arith.addi %add3A_141, %mul3A_140 : i32
      %mul3A_143 = arith.constant 16 : i32
      %mul3A_144 = arith.muli %add3A_142, %mul3A_143 : i32
      %swap3A_145 = arith.index_cast %mul3A_144 : i32 to index
      %swap3A_146 = tpu.vector_load %arg5[%swap3A_145] {strides = array<i32>} : memref<1024xi32, #tpu.memory_space<vmem>>, vector<16xi32>,
      tpu.vector_store %arg5[%swap3A_145], %broadcast_in_dim3A_3 {strides = array<i32>} : memref<1024xi32, #tpu.memory_space<vmem>>, vector<16xi32>,
      %mul3A_147 = arith.constant 16 : i32
      %mul3A_148 = arith.muli %add3A_142, %mul3A_147 : i32
      %swap3A_149 = arith.index_cast %mul3A_148 : i32 to index
      %swap3A_150 = tpu.vector_load %arg6[%swap3A_149] {strides = array<i32>} : memref<1024xi32, #tpu.memory_space<vmem>>, vector<16xi32>,
      tpu.vector_store %arg6[%swap3A_149], %broadcast_in_dim3A_3 {strides = array<i32>} : memref<1024xi32, #tpu.memory_space<vmem>>, vector<16xi32>,
    }
    %scan3A_9 = arith.constant 64 : i32
    %add3A_10 = arith.constant 0 : i32
    %add3A_11 = arith.addi %mul3A_2, %add3A_10 : i32
    %dma_start3A = arith.constant 0 : i32
    %dma_start3A_12 = arith.constant 0 : i32
    %dma_start3A_13 = tpu.memref_slice %arg4[%dma_start3A, %dma_start3A_12] : memref<2x32768xi32, #tpu.memory_space<vmem>> -> memref<1x32768xi32, #tpu.memory_space<vmem>>
    %dma_start3A_14 = tpu.memref_squeeze %dma_start3A_13 : memref<1x32768xi32, #tpu.memory_space<vmem>> -> memref<32768xi32, #tpu.memory_space<vmem>>
    %dma_start3A_15 = tpu.memref_slice %arg2[%add3A_11] : memref<16777216xi32, #tpu.memory_space<hbm>> -> memref<32768xi32, #tpu.memory_space<hbm>>
    %dma_start3A_16 = arith.constant 0 : i32
    %dma_start3A_17 = tpu.memref_slice %arg4[%dma_start3A, %dma_start3A_16] : memref<2x32768xi32, #tpu.memory_space<vmem>> -> memref<1x32768xi32, #tpu.memory_space<vmem>>
    %dma_start3A_18 = tpu.memref_squeeze %dma_start3A_17 : memref<1x32768xi32, #tpu.memory_space<vmem>> -> memref<32768xi32, #tpu.memory_space<vmem>>
    %dma_start3A_19 = tpu.memref_slice %arg2[%add3A_11] : memref<16777216xi32, #tpu.memory_space<hbm>> -> memref<32768xi32, #tpu.memory_space<hbm>>
    tpu.enqueue_dma source(%dma_start3A_19 : memref<32768xi32, #tpu.memory_space<hbm>>) target(%dma_start3A_18 : memref<32768xi32, #tpu.memory_space<vmem>>) target_semaphore(%arg7 : memref<!tpu.dma_semaphore, #tpu.memory_space<semaphore_mem>>)
    %add3A_20 = arith.constant 32768 : i32
    %add3A_21 = arith.addi %mul3A_2, %add3A_20 : i32
    %dma_start3A_22 = arith.constant 1 : i32
    %dma_start3A_23 = arith.constant 0 : i32
    %dma_start3A_24 = tpu.memref_slice %arg4[%dma_start3A_22, %dma_start3A_23] : memref<2x32768xi32, #tpu.memory_space<vmem>> -> memref<1x32768xi32, #tpu.memory_space<vmem>>
    %dma_start3A_25 = tpu.memref_squeeze %dma_start3A_24 : memref<1x32768xi32, #tpu.memory_space<vmem>> -> memref<32768xi32, #tpu.memory_space<vmem>>
    %dma_start3A_26 = tpu.memref_slice %arg2[%add3A_21] : memref<16777216xi32, #tpu.memory_space<hbm>> -> memref<32768xi32, #tpu.memory_space<hbm>>
    %dma_start3A_27 = arith.constant 0 : i32
    %dma_start3A_28 = tpu.memref_slice %arg4[%dma_start3A_22, %dma_start3A_27] : memref<2x32768xi32, #tpu.memory_space<vmem>> -> memref<1x32768xi32, #tpu.memory_space<vmem>>
    %dma_start3A_29 = tpu.memref_squeeze %dma_start3A_28 : memref<1x32768xi32, #tpu.memory_space<vmem>> -> memref<32768xi32, #tpu.memory_space<vmem>>
    %dma_start3A_30 = tpu.memref_slice %arg2[%add3A_21] : memref<16777216xi32, #tpu.memory_space<hbm>> -> memref<32768xi32, #tpu.memory_space<hbm>>
    tpu.enqueue_dma source(%dma_start3A_30 : memref<32768xi32, #tpu.memory_space<hbm>>) target(%dma_start3A_29 : memref<32768xi32, #tpu.memory_space<vmem>>) target_semaphore(%arg8 : memref<!tpu.dma_semaphore, #tpu.memory_space<semaphore_mem>>)
    %scan3A_31 = arith.constant 0 : i32
    %scan3A_32 = arith.constant 8 : i32
    %scan3A_33 = arith.addi %scan3A_31, %scan3A_32 : i32
    %scan3A_34 = arith.constant 1 : i32
    scf.for %scan3A_41 = %scan3A_31 to %scan3A_33 step %scan3A_34  : i32 {
      %mul3A_42 = arith.constant 1 : i32
      %mul3A_43 = arith.muli %scan3A_41, %mul3A_42 : i32
      %add3A_44 = arith.constant 0 : i32
      %add3A_45 = arith.addi %add3A_44, %mul3A_43 : i32
      %mul3A_46 = arith.constant 2 : i32
      %mul3A_47 = arith.muli %add3A_45, %mul3A_46 : i32
      %add3A_48 = arith.constant 0 : i32
      %add3A_49 = arith.addi %mul3A_47, %add3A_48 : i32
      %mul3A_50 = arith.constant 32768 : i32
      %mul3A_51 = arith.muli %add3A_49, %mul3A_50 : i32
      %add3A_52 = arith.addi %mul3A_2, %mul3A_51 : i32
      %dma_wait3A = arith.constant 0 : i32
      %dma_wait3A_53 = arith.constant 0 : i32
      %dma_wait3A_54 = tpu.memref_slice %arg4[%dma_wait3A, %dma_wait3A_53] : memref<2x32768xi32, #tpu.memory_space<vmem>> -> memref<1x32768xi32, #tpu.memory_space<vmem>>
      %dma_wait3A_55 = tpu.memref_squeeze %dma_wait3A_54 : memref<1x32768xi32, #tpu.memory_space<vmem>> -> memref<32768xi32, #tpu.memory_space<vmem>>
      %dma_wait3A_56 = tpu.memref_slice %arg2[%add3A_52] : memref<16777216xi32, #tpu.memory_space<hbm>> -> memref<32768xi32, #tpu.memory_space<hbm>>
      %dma_wait3A_57 = arith.constant 0 : i32
      %dma_wait3A_58 = tpu.memref_slice %arg4[%dma_wait3A, %dma_wait3A_57] : memref<2x32768xi32, #tpu.memory_space<vmem>> -> memref<1x32768xi32, #tpu.memory_space<vmem>>
      %dma_wait3A_59 = tpu.memref_squeeze %dma_wait3A_58 : memref<1x32768xi32, #tpu.memory_space<vmem>> -> memref<32768xi32, #tpu.memory_space<vmem>>
      %dma_wait3A_60 = tpu.memref_slice %arg2[%add3A_52] : memref<16777216xi32, #tpu.memory_space<hbm>> -> memref<32768xi32, #tpu.memory_space<hbm>>
      tpu.wait_dma2 semaphore(%arg7 : memref<!tpu.dma_semaphore, #tpu.memory_space<semaphore_mem>>) src(%dma_wait3A_60 : memref<32768xi32, #tpu.memory_space<hbm>>) dst(%dma_wait3A_59 : memref<32768xi32, #tpu.memory_space<vmem>>)
      %parallel_loop3A = arith.constant 0 : i32
      %parallel_loop3A_61 = arith.constant 1024 : i32
      %parallel_loop3A_62 = arith.constant 1 : i32
      scf.for %parallel_loop3A_91 = %parallel_loop3A to %parallel_loop3A_61 step %parallel_loop3A_62  : i32 {
        %parallel_loop3A_92 = arith.constant 2 : i32
        %parallel_loop3A_93 = arith.muli %parallel_loop3A_91, %parallel_loop3A_92 : i32
        %parallel_loop3A_94 = arith.constant 16 : i32
        %parallel_loop3A_95 = arith.muli %parallel_loop3A_93, %parallel_loop3A_94 : i32
        %parallel_loop3A_96 = arith.constant 0 : i32
        %parallel_loop3A_97 = arith.index_cast %parallel_loop3A_96 : i32 to index
        %parallel_loop3A_98 = arith.index_cast %parallel_loop3A_95 : i32 to index
        %parallel_loop3A_99 = tpu.vector_load %arg4[%parallel_loop3A_97, %parallel_loop3A_98] {strides = array<i32>} : memref<2x32768xi32, #tpu.memory_space<vmem>>, vector<16xi32>,
        %parallel_loop3A_100 = arith.constant 2 : i32
        %parallel_loop3A_101 = arith.muli %parallel_loop3A_91, %parallel_loop3A_100 : i32
        %parallel_loop3A_102 = arith.constant 16 : i32
        %parallel_loop3A_103 = arith.muli %parallel_loop3A_101, %parallel_loop3A_102 : i32
        %parallel_loop3A_104 = arith.constant 16 : i32
        %parallel_loop3A_105 = arith.addi %parallel_loop3A_103, %parallel_loop3A_104 : i32
        %parallel_loop3A_106 = arith.constant 0 : i32
        %parallel_loop3A_107 = arith.index_cast %parallel_loop3A_106 : i32 to index
        %parallel_loop3A_108 = arith.index_cast %parallel_loop3A_105 : i32 to index
        %parallel_loop3A_109 = tpu.vector_load %arg4[%parallel_loop3A_107, %parallel_loop3A_108] {strides = array<i32>} : memref<2x32768xi32, #tpu.memory_space<vmem>>, vector<16xi32>,
        tpu.vector_store_idx %arg5[%parallel_loop3A_99], %broadcast_in_dim3A_5 {add = true} : memref<1024xi32, #tpu.memory_space<vmem>>[vector<16xi32>], vector<16xi32>,
        tpu.vector_store_idx %arg6[%parallel_loop3A_109], %broadcast_in_dim3A_5 {add = true} : memref<1024xi32, #tpu.memory_space<vmem>>[vector<16xi32>], vector<16xi32>,
      } {sc.loop_unroll_factor = 8 : i64, sc.parallel_access}
      %add3A_63 = arith.constant 2 : i32
      %add3A_64 = arith.addi %add3A_49, %add3A_63 : i32
      %lt3A = arith.constant 16 : i32
      %lt3A_65 = arith.cmpi slt, %add3A_64, %lt3A : i32
      %convert_element_type3A = arith.extui %lt3A_65 : i1 to i32
      %cond3A = arith.constant 0 : i32
      %cond3A_66 = arith.cmpi ne, %convert_element_type3A, %cond3A : i32
      scf.if %cond3A_66 {
        %mul3A_91 = arith.constant 32768 : i32
        %mul3A_92 = arith.muli %add3A_64, %mul3A_91 : i32
        %add3A_93 = arith.addi %mul3A_2, %mul3A_92 : i32
        %dma_start3A_94 = arith.constant 0 : i32
        %dma_start3A_95 = arith.constant 0 : i32
        %dma_start3A_96 = tpu.memref_slice %arg4[%dma_start3A_94, %dma_start3A_95] : memref<2x32768xi32, #tpu.memory_space<vmem>> -> memref<1x32768xi32, #tpu.memory_space<vmem>>
        %dma_start3A_97 = tpu.memref_squeeze %dma_start3A_96 : memref<1x32768xi32, #tpu.memory_space<vmem>> -> memref<32768xi32, #tpu.memory_space<vmem>>
        %dma_start3A_98 = tpu.memref_slice %arg2[%add3A_93] : memref<16777216xi32, #tpu.memory_space<hbm>> -> memref<32768xi32, #tpu.memory_space<hbm>>
        %dma_start3A_99 = arith.constant 0 : i32
        %dma_start3A_100 = tpu.memref_slice %arg4[%dma_start3A_94, %dma_start3A_99] : memref<2x32768xi32, #tpu.memory_space<vmem>> -> memref<1x32768xi32, #tpu.memory_space<vmem>>
        %dma_start3A_101 = tpu.memref_squeeze %dma_start3A_100 : memref<1x32768xi32, #tpu.memory_space<vmem>> -> memref<32768xi32, #tpu.memory_space<vmem>>
        %dma_start3A_102 = tpu.memref_slice %arg2[%add3A_93] : memref<16777216xi32, #tpu.memory_space<hbm>> -> memref<32768xi32, #tpu.memory_space<hbm>>
        tpu.enqueue_dma source(%dma_start3A_102 : memref<32768xi32, #tpu.memory_space<hbm>>) target(%dma_start3A_101 : memref<32768xi32, #tpu.memory_space<vmem>>) target_semaphore(%arg7 : memref<!tpu.dma_semaphore, #tpu.memory_space<semaphore_mem>>)
      } else {
      }
      %add3A_67 = arith.constant 1 : i32
      %add3A_68 = arith.addi %mul3A_47, %add3A_67 : i32
      %mul3A_69 = arith.constant 32768 : i32
      %mul3A_70 = arith.muli %add3A_68, %mul3A_69 : i32
      %add3A_71 = arith.addi %mul3A_2, %mul3A_70 : i32
      %dma_wait3A_72 = arith.constant 1 : i32
      %dma_wait3A_73 = arith.constant 0 : i32
      %dma_wait3A_74 = tpu.memref_slice %arg4[%dma_wait3A_72, %dma_wait3A_73] : memref<2x32768xi32, #tpu.memory_space<vmem>> -> memref<1x32768xi32, #tpu.memory_space<vmem>>
      %dma_wait3A_75 = tpu.memref_squeeze %dma_wait3A_74 : memref<1x32768xi32, #tpu.memory_space<vmem>> -> memref<32768xi32, #tpu.memory_space<vmem>>
      %dma_wait3A_76 = tpu.memref_slice %arg2[%add3A_71] : memref<16777216xi32, #tpu.memory_space<hbm>> -> memref<32768xi32, #tpu.memory_space<hbm>>
      %dma_wait3A_77 = arith.constant 0 : i32
      %dma_wait3A_78 = tpu.memref_slice %arg4[%dma_wait3A_72, %dma_wait3A_77] : memref<2x32768xi32, #tpu.memory_space<vmem>> -> memref<1x32768xi32, #tpu.memory_space<vmem>>
      %dma_wait3A_79 = tpu.memref_squeeze %dma_wait3A_78 : memref<1x32768xi32, #tpu.memory_space<vmem>> -> memref<32768xi32, #tpu.memory_space<vmem>>
      %dma_wait3A_80 = tpu.memref_slice %arg2[%add3A_71] : memref<16777216xi32, #tpu.memory_space<hbm>> -> memref<32768xi32, #tpu.memory_space<hbm>>
      tpu.wait_dma2 semaphore(%arg8 : memref<!tpu.dma_semaphore, #tpu.memory_space<semaphore_mem>>) src(%dma_wait3A_80 : memref<32768xi32, #tpu.memory_space<hbm>>) dst(%dma_wait3A_79 : memref<32768xi32, #tpu.memory_space<vmem>>)
      %parallel_loop3A_81 = arith.constant 0 : i32
      %parallel_loop3A_82 = arith.constant 1024 : i32
      %parallel_loop3A_83 = arith.constant 1 : i32
      scf.for %parallel_loop3A_91 = %parallel_loop3A_81 to %parallel_loop3A_82 step %parallel_loop3A_83  : i32 {
        %parallel_loop3A_92 = arith.constant 2 : i32
        %parallel_loop3A_93 = arith.muli %parallel_loop3A_91, %parallel_loop3A_92 : i32
        %parallel_loop3A_94 = arith.constant 16 : i32
        %parallel_loop3A_95 = arith.muli %parallel_loop3A_93, %parallel_loop3A_94 : i32
        %parallel_loop3A_96 = arith.constant 1 : i32
        %parallel_loop3A_97 = arith.index_cast %parallel_loop3A_96 : i32 to index
        %parallel_loop3A_98 = arith.index_cast %parallel_loop3A_95 : i32 to index
        %parallel_loop3A_99 = tpu.vector_load %arg4[%parallel_loop3A_97, %parallel_loop3A_98] {strides = array<i32>} : memref<2x32768xi32, #tpu.memory_space<vmem>>, vector<16xi32>,
        %parallel_loop3A_100 = arith.constant 2 : i32
        %parallel_loop3A_101 = arith.muli %parallel_loop3A_91, %parallel_loop3A_100 : i32
        %parallel_loop3A_102 = arith.constant 16 : i32
        %parallel_loop3A_103 = arith.muli %parallel_loop3A_101, %parallel_loop3A_102 : i32
        %parallel_loop3A_104 = arith.constant 16 : i32
        %parallel_loop3A_105 = arith.addi %parallel_loop3A_103, %parallel_loop3A_104 : i32
        %parallel_loop3A_106 = arith.constant 1 : i32
        %parallel_loop3A_107 = arith.index_cast %parallel_loop3A_106 : i32 to index
        %parallel_loop3A_108 = arith.index_cast %parallel_loop3A_105 : i32 to index
        %parallel_loop3A_109 = tpu.vector_load %arg4[%parallel_loop3A_107, %parallel_loop3A_108] {strides = array<i32>} : memref<2x32768xi32, #tpu.memory_space<vmem>>, vector<16xi32>,
        tpu.vector_store_idx %arg5[%parallel_loop3A_99], %broadcast_in_dim3A_5 {add = true} : memref<1024xi32, #tpu.memory_space<vmem>>[vector<16xi32>], vector<16xi32>,
        tpu.vector_store_idx %arg6[%parallel_loop3A_109], %broadcast_in_dim3A_5 {add = true} : memref<1024xi32, #tpu.memory_space<vmem>>[vector<16xi32>], vector<16xi32>,
      } {sc.loop_unroll_factor = 8 : i64, sc.parallel_access}
      %add3A_84 = arith.constant 2 : i32
      %add3A_85 = arith.addi %add3A_68, %add3A_84 : i32
      %lt3A_86 = arith.constant 16 : i32
      %lt3A_87 = arith.cmpi slt, %add3A_85, %lt3A_86 : i32
      %convert_element_type3A_88 = arith.extui %lt3A_87 : i1 to i32
      %cond3A_89 = arith.constant 0 : i32
      %cond3A_90 = arith.cmpi ne, %convert_element_type3A_88, %cond3A_89 : i32
      scf.if %cond3A_90 {
        %mul3A_91 = arith.constant 32768 : i32
        %mul3A_92 = arith.muli %add3A_85, %mul3A_91 : i32
        %add3A_93 = arith.addi %mul3A_2, %mul3A_92 : i32
        %dma_start3A_94 = arith.constant 1 : i32
        %dma_start3A_95 = arith.constant 0 : i32
        %dma_start3A_96 = tpu.memref_slice %arg4[%dma_start3A_94, %dma_start3A_95] : memref<2x32768xi32, #tpu.memory_space<vmem>> -> memref<1x32768xi32, #tpu.memory_space<vmem>>
        %dma_start3A_97 = tpu.memref_squeeze %dma_start3A_96 : memref<1x32768xi32, #tpu.memory_space<vmem>> -> memref<32768xi32, #tpu.memory_space<vmem>>
        %dma_start3A_98 = tpu.memref_slice %arg2[%add3A_93] : memref<16777216xi32, #tpu.memory_space<hbm>> -> memref<32768xi32, #tpu.memory_space<hbm>>
        %dma_start3A_99 = arith.constant 0 : i32
        %dma_start3A_100 = tpu.memref_slice %arg4[%dma_start3A_94, %dma_start3A_99] : memref<2x32768xi32, #tpu.memory_space<vmem>> -> memref<1x32768xi32, #tpu.memory_space<vmem>>
        %dma_start3A_101 = tpu.memref_squeeze %dma_start3A_100 : memref<1x32768xi32, #tpu.memory_space<vmem>> -> memref<32768xi32, #tpu.memory_space<vmem>>
        %dma_start3A_102 = tpu.memref_slice %arg2[%add3A_93] : memref<16777216xi32, #tpu.memory_space<hbm>> -> memref<32768xi32, #tpu.memory_space<hbm>>
        tpu.enqueue_dma source(%dma_start3A_102 : memref<32768xi32, #tpu.memory_space<hbm>>) target(%dma_start3A_101 : memref<32768xi32, #tpu.memory_space<vmem>>) target_semaphore(%arg8 : memref<!tpu.dma_semaphore, #tpu.memory_space<semaphore_mem>>)
      } else {
      }
    }
    %scan3A_35 = arith.constant 8 : i32
    %scan3A_36 = arith.constant 0 : i32
    %scan3A_37 = arith.constant 64 : i32
    %scan3A_38 = arith.addi %scan3A_36, %scan3A_37 : i32
    %scan3A_39 = arith.constant 8 : i32
    scf.for %scan3A_41 = %scan3A_36 to %scan3A_38 step %scan3A_39  : i32 {
      %mul3A_42 = arith.constant 1 : i32
      %mul3A_43 = arith.muli %scan3A_41, %mul3A_42 : i32
      %add3A_44 = arith.constant 0 : i32
      %add3A_45 = arith.addi %add3A_44, %mul3A_43 : i32
      %mul3A_46 = arith.constant 16 : i32
      %mul3A_47 = arith.muli %add3A_45, %mul3A_46 : i32
      %get3A = arith.index_cast %mul3A_47 : i32 to index
      %get3A_48 = tpu.vector_load %arg5[%get3A] {strides = array<i32>} : memref<1024xi32, #tpu.memory_space<vmem>>, vector<16xi32>,
      %mul3A_49 = arith.constant 16 : i32
      %mul3A_50 = arith.muli %add3A_45, %mul3A_49 : i32
      %get3A_51 = arith.index_cast %mul3A_50 : i32 to index
      %get3A_52 = tpu.vector_load %arg6[%get3A_51] {strides = array<i32>} : memref<1024xi32, #tpu.memory_space<vmem>>, vector<16xi32>,
      %add3A_53 = arith.addi %get3A_48, %get3A_52 : vector<16xi32>
      %mul3A_54 = arith.constant 16 : i32
      %mul3A_55 = arith.muli %add3A_45, %mul3A_54 : i32
      %swap3A = arith.index_cast %mul3A_55 : i32 to index
      %swap3A_56 = tpu.vector_load %arg5[%swap3A] {strides = array<i32>} : memref<1024xi32, #tpu.memory_space<vmem>>, vector<16xi32>,
      tpu.vector_store %arg5[%swap3A], %add3A_53 {strides = array<i32>} : memref<1024xi32, #tpu.memory_space<vmem>>, vector<16xi32>,
      %scan3A_57 = arith.constant 1 : i32
      %scan3A_58 = arith.addi %scan3A_41, %scan3A_57 : i32
      %mul3A_59 = arith.constant 1 : i32
      %mul3A_60 = arith.muli %scan3A_58, %mul3A_59 : i32
      %add3A_61 = arith.constant 0 : i32
      %add3A_62 = arith.addi %add3A_61, %mul3A_60 : i32
      %mul3A_63 = arith.constant 16 : i32
      %mul3A_64 = arith.muli %add3A_62, %mul3A_63 : i32
      %get3A_65 = arith.index_cast %mul3A_64 : i32 to index
      %get3A_66 = tpu.vector_load %arg5[%get3A_65] {strides = array<i32>} : memref<1024xi32, #tpu.memory_space<vmem>>, vector<16xi32>,
      %mul3A_67 = arith.constant 16 : i32
      %mul3A_68 = arith.muli %add3A_62, %mul3A_67 : i32
      %get3A_69 = arith.index_cast %mul3A_68 : i32 to index
      %get3A_70 = tpu.vector_load %arg6[%get3A_69] {strides = array<i32>} : memref<1024xi32, #tpu.memory_space<vmem>>, vector<16xi32>,
      %add3A_71 = arith.addi %get3A_66, %get3A_70 : vector<16xi32>
      %mul3A_72 = arith.constant 16 : i32
      %mul3A_73 = arith.muli %add3A_62, %mul3A_72 : i32
      %swap3A_74 = arith.index_cast %mul3A_73 : i32 to index
      %swap3A_75 = tpu.vector_load %arg5[%swap3A_74] {strides = array<i32>} : memref<1024xi32, #tpu.memory_space<vmem>>, vector<16xi32>,
      tpu.vector_store %arg5[%swap3A_74], %add3A_71 {strides = array<i32>} : memref<1024xi32, #tpu.memory_space<vmem>>, vector<16xi32>,
      %scan3A_76 = arith.constant 2 : i32
      %scan3A_77 = arith.addi %scan3A_41, %scan3A_76 : i32
      %mul3A_78 = arith.constant 1 : i32
      %mul3A_79 = arith.muli %scan3A_77, %mul3A_78 : i32
      %add3A_80 = arith.constant 0 : i32
      %add3A_81 = arith.addi %add3A_80, %mul3A_79 : i32
      %mul3A_82 = arith.constant 16 : i32
      %mul3A_83 = arith.muli %add3A_81, %mul3A_82 : i32
      %get3A_84 = arith.index_cast %mul3A_83 : i32 to index
      %get3A_85 = tpu.vector_load %arg5[%get3A_84] {strides = array<i32>} : memref<1024xi32, #tpu.memory_space<vmem>>, vector<16xi32>,
      %mul3A_86 = arith.constant 16 : i32
      %mul3A_87 = arith.muli %add3A_81, %mul3A_86 : i32
      %get3A_88 = arith.index_cast %mul3A_87 : i32 to index
      %get3A_89 = tpu.vector_load %arg6[%get3A_88] {strides = array<i32>} : memref<1024xi32, #tpu.memory_space<vmem>>, vector<16xi32>,
      %add3A_90 = arith.addi %get3A_85, %get3A_89 : vector<16xi32>
      %mul3A_91 = arith.constant 16 : i32
      %mul3A_92 = arith.muli %add3A_81, %mul3A_91 : i32
      %swap3A_93 = arith.index_cast %mul3A_92 : i32 to index
      %swap3A_94 = tpu.vector_load %arg5[%swap3A_93] {strides = array<i32>} : memref<1024xi32, #tpu.memory_space<vmem>>, vector<16xi32>,
      tpu.vector_store %arg5[%swap3A_93], %add3A_90 {strides = array<i32>} : memref<1024xi32, #tpu.memory_space<vmem>>, vector<16xi32>,
      %scan3A_95 = arith.constant 3 : i32
      %scan3A_96 = arith.addi %scan3A_41, %scan3A_95 : i32
      %mul3A_97 = arith.constant 1 : i32
      %mul3A_98 = arith.muli %scan3A_96, %mul3A_97 : i32
      %add3A_99 = arith.constant 0 : i32
      %add3A_100 = arith.addi %add3A_99, %mul3A_98 : i32
      %mul3A_101 = arith.constant 16 : i32
      %mul3A_102 = arith.muli %add3A_100, %mul3A_101 : i32
      %get3A_103 = arith.index_cast %mul3A_102 : i32 to index
      %get3A_104 = tpu.vector_load %arg5[%get3A_103] {strides = array<i32>} : memref<1024xi32, #tpu.memory_space<vmem>>, vector<16xi32>,
      %mul3A_105 = arith.constant 16 : i32
      %mul3A_106 = arith.muli %add3A_100, %mul3A_105 : i32
      %get3A_107 = arith.index_cast %mul3A_106 : i32 to index
      %get3A_108 = tpu.vector_load %arg6[%get3A_107] {strides = array<i32>} : memref<1024xi32, #tpu.memory_space<vmem>>, vector<16xi32>,
      %add3A_109 = arith.addi %get3A_104, %get3A_108 : vector<16xi32>
      %mul3A_110 = arith.constant 16 : i32
      %mul3A_111 = arith.muli %add3A_100, %mul3A_110 : i32
      %swap3A_112 = arith.index_cast %mul3A_111 : i32 to index
      %swap3A_113 = tpu.vector_load %arg5[%swap3A_112] {strides = array<i32>} : memref<1024xi32, #tpu.memory_space<vmem>>, vector<16xi32>,
      tpu.vector_store %arg5[%swap3A_112], %add3A_109 {strides = array<i32>} : memref<1024xi32, #tpu.memory_space<vmem>>, vector<16xi32>,
      %scan3A_114 = arith.constant 4 : i32
      %scan3A_115 = arith.addi %scan3A_41, %scan3A_114 : i32
      %mul3A_116 = arith.constant 1 : i32
      %mul3A_117 = arith.muli %scan3A_115, %mul3A_116 : i32
      %add3A_118 = arith.constant 0 : i32
      %add3A_119 = arith.addi %add3A_118, %mul3A_117 : i32
      %mul3A_120 = arith.constant 16 : i32
      %mul3A_121 = arith.muli %add3A_119, %mul3A_120 : i32
      %get3A_122 = arith.index_cast %mul3A_121 : i32 to index
      %get3A_123 = tpu.vector_load %arg5[%get3A_122] {strides = array<i32>} : memref<1024xi32, #tpu.memory_space<vmem>>, vector<16xi32>,
      %mul3A_124 = arith.constant 16 : i32
      %mul3A_125 = arith.muli %add3A_119, %mul3A_124 : i32
      %get3A_126 = arith.index_cast %mul3A_125 : i32 to index
      %get3A_127 = tpu.vector_load %arg6[%get3A_126] {strides = array<i32>} : memref<1024xi32, #tpu.memory_space<vmem>>, vector<16xi32>,
      %add3A_128 = arith.addi %get3A_123, %get3A_127 : vector<16xi32>
      %mul3A_129 = arith.constant 16 : i32
      %mul3A_130 = arith.muli %add3A_119, %mul3A_129 : i32
      %swap3A_131 = arith.index_cast %mul3A_130 : i32 to index
      %swap3A_132 = tpu.vector_load %arg5[%swap3A_131] {strides = array<i32>} : memref<1024xi32, #tpu.memory_space<vmem>>, vector<16xi32>,
      tpu.vector_store %arg5[%swap3A_131], %add3A_128 {strides = array<i32>} : memref<1024xi32, #tpu.memory_space<vmem>>, vector<16xi32>,
      %scan3A_133 = arith.constant 5 : i32
      %scan3A_134 = arith.addi %scan3A_41, %scan3A_133 : i32
      %mul3A_135 = arith.constant 1 : i32
      %mul3A_136 = arith.muli %scan3A_134, %mul3A_135 : i32
      %add3A_137 = arith.constant 0 : i32
      %add3A_138 = arith.addi %add3A_137, %mul3A_136 : i32
      %mul3A_139 = arith.constant 16 : i32
      %mul3A_140 = arith.muli %add3A_138, %mul3A_139 : i32
      %get3A_141 = arith.index_cast %mul3A_140 : i32 to index
      %get3A_142 = tpu.vector_load %arg5[%get3A_141] {strides = array<i32>} : memref<1024xi32, #tpu.memory_space<vmem>>, vector<16xi32>,
      %mul3A_143 = arith.constant 16 : i32
      %mul3A_144 = arith.muli %add3A_138, %mul3A_143 : i32
      %get3A_145 = arith.index_cast %mul3A_144 : i32 to index
      %get3A_146 = tpu.vector_load %arg6[%get3A_145] {strides = array<i32>} : memref<1024xi32, #tpu.memory_space<vmem>>, vector<16xi32>,
      %add3A_147 = arith.addi %get3A_142, %get3A_146 : vector<16xi32>
      %mul3A_148 = arith.constant 16 : i32
      %mul3A_149 = arith.muli %add3A_138, %mul3A_148 : i32
      %swap3A_150 = arith.index_cast %mul3A_149 : i32 to index
      %swap3A_151 = tpu.vector_load %arg5[%swap3A_150] {strides = array<i32>} : memref<1024xi32, #tpu.memory_space<vmem>>, vector<16xi32>,
      tpu.vector_store %arg5[%swap3A_150], %add3A_147 {strides = array<i32>} : memref<1024xi32, #tpu.memory_space<vmem>>, vector<16xi32>,
      %scan3A_152 = arith.constant 6 : i32
      %scan3A_153 = arith.addi %scan3A_41, %scan3A_152 : i32
      %mul3A_154 = arith.constant 1 : i32
      %mul3A_155 = arith.muli %scan3A_153, %mul3A_154 : i32
      %add3A_156 = arith.constant 0 : i32
      %add3A_157 = arith.addi %add3A_156, %mul3A_155 : i32
      %mul3A_158 = arith.constant 16 : i32
      %mul3A_159 = arith.muli %add3A_157, %mul3A_158 : i32
      %get3A_160 = arith.index_cast %mul3A_159 : i32 to index
      %get3A_161 = tpu.vector_load %arg5[%get3A_160] {strides = array<i32>} : memref<1024xi32, #tpu.memory_space<vmem>>, vector<16xi32>,
      %mul3A_162 = arith.constant 16 : i32
      %mul3A_163 = arith.muli %add3A_157, %mul3A_162 : i32
      %get3A_164 = arith.index_cast %mul3A_163 : i32 to index
      %get3A_165 = tpu.vector_load %arg6[%get3A_164] {strides = array<i32>} : memref<1024xi32, #tpu.memory_space<vmem>>, vector<16xi32>,
      %add3A_166 = arith.addi %get3A_161, %get3A_165 : vector<16xi32>
      %mul3A_167 = arith.constant 16 : i32
      %mul3A_168 = arith.muli %add3A_157, %mul3A_167 : i32
      %swap3A_169 = arith.index_cast %mul3A_168 : i32 to index
      %swap3A_170 = tpu.vector_load %arg5[%swap3A_169] {strides = array<i32>} : memref<1024xi32, #tpu.memory_space<vmem>>, vector<16xi32>,
      tpu.vector_store %arg5[%swap3A_169], %add3A_166 {strides = array<i32>} : memref<1024xi32, #tpu.memory_space<vmem>>, vector<16xi32>,
      %scan3A_171 = arith.constant 7 : i32
      %scan3A_172 = arith.addi %scan3A_41, %scan3A_171 : i32
      %mul3A_173 = arith.constant 1 : i32
      %mul3A_174 = arith.muli %scan3A_172, %mul3A_173 : i32
      %add3A_175 = arith.constant 0 : i32
      %add3A_176 = arith.addi %add3A_175, %mul3A_174 : i32
      %mul3A_177 = arith.constant 16 : i32
      %mul3A_178 = arith.muli %add3A_176, %mul3A_177 : i32
      %get3A_179 = arith.index_cast %mul3A_178 : i32 to index
      %get3A_180 = tpu.vector_load %arg5[%get3A_179] {strides = array<i32>} : memref<1024xi32, #tpu.memory_space<vmem>>, vector<16xi32>,
      %mul3A_181 = arith.constant 16 : i32
      %mul3A_182 = arith.muli %add3A_176, %mul3A_181 : i32
      %get3A_183 = arith.index_cast %mul3A_182 : i32 to index
      %get3A_184 = tpu.vector_load %arg6[%get3A_183] {strides = array<i32>} : memref<1024xi32, #tpu.memory_space<vmem>>, vector<16xi32>,
      %add3A_185 = arith.addi %get3A_180, %get3A_184 : vector<16xi32>
      %mul3A_186 = arith.constant 16 : i32
      %mul3A_187 = arith.muli %add3A_176, %mul3A_186 : i32
      %swap3A_188 = arith.index_cast %mul3A_187 : i32 to index
      %swap3A_189 = tpu.vector_load %arg5[%swap3A_188] {strides = array<i32>} : memref<1024xi32, #tpu.memory_space<vmem>>, vector<16xi32>,
      tpu.vector_store %arg5[%swap3A_188], %add3A_185 {strides = array<i32>} : memref<1024xi32, #tpu.memory_space<vmem>>, vector<16xi32>,
    }
    %scan3A_40 = arith.constant 64 : i32
    "tpu.region"() ({
      %run_scoped3A = tpu.sem_alloc : memref<!tpu.dma_semaphore, #tpu.memory_space<semaphore_mem>>
      %dma_start3A_41 = arith.constant 0 : i32
      %dma_start3A_42 = tpu.memref_slice %arg3[%add3A, %dma_start3A_41] : memref<32x1024xi32, #tpu.memory_space<hbm>> -> memref<1x1024xi32, #tpu.memory_space<hbm>>
      %dma_start3A_43 = tpu.memref_squeeze %dma_start3A_42 : memref<1x1024xi32, #tpu.memory_space<hbm>> -> memref<1024xi32, #tpu.memory_space<hbm>>
      %dma_start3A_44 = arith.constant 0 : i32
      %dma_start3A_45 = tpu.memref_slice %arg3[%add3A, %dma_start3A_44] : memref<32x1024xi32, #tpu.memory_space<hbm>> -> memref<1x1024xi32, #tpu.memory_space<hbm>>
      %dma_start3A_46 = tpu.memref_squeeze %dma_start3A_45 : memref<1x1024xi32, #tpu.memory_space<hbm>> -> memref<1024xi32, #tpu.memory_space<hbm>>
      tpu.enqueue_dma source(%arg5 : memref<1024xi32, #tpu.memory_space<vmem>>) target(%dma_start3A_46 : memref<1024xi32, #tpu.memory_space<hbm>>) target_semaphore(%run_scoped3A : memref<!tpu.dma_semaphore, #tpu.memory_space<semaphore_mem>>)
      %dma_wait3A = arith.constant 0 : i32
      %dma_wait3A_47 = tpu.memref_slice %arg3[%add3A, %dma_wait3A] : memref<32x1024xi32, #tpu.memory_space<hbm>> -> memref<1x1024xi32, #tpu.memory_space<hbm>>
      %dma_wait3A_48 = tpu.memref_squeeze %dma_wait3A_47 : memref<1x1024xi32, #tpu.memory_space<hbm>> -> memref<1024xi32, #tpu.memory_space<hbm>>
      %dma_wait3A_49 = arith.constant 0 : i32
      %dma_wait3A_50 = tpu.memref_slice %arg3[%add3A, %dma_wait3A_49] : memref<32x1024xi32, #tpu.memory_space<hbm>> -> memref<1x1024xi32, #tpu.memory_space<hbm>>
      %dma_wait3A_51 = tpu.memref_squeeze %dma_wait3A_50 : memref<1x1024xi32, #tpu.memory_space<hbm>> -> memref<1024xi32, #tpu.memory_space<hbm>>
      tpu.wait_dma2 semaphore(%run_scoped3A : memref<!tpu.dma_semaphore, #tpu.memory_space<semaphore_mem>>) src(%arg5 : memref<1024xi32, #tpu.memory_space<vmem>>) dst(%dma_wait3A_51 : memref<1024xi32, #tpu.memory_space<hbm>>)
      tpu.yield
    }) : () -> ()
    return
  }
}

</mosaic_0001>

<sc_bundles>
// kernel: _sc_hist.3.cloned.1.call-start
scs
__scs_entry_jumppad:
0x0: {  	(pc) =	sbr.rel $0x88, $3  }
0x1: {  	(tag) =	ssettag $0x0;
	lr =	simm.s32 $0x1  }
0x2: {  	[smem:$0x3FA0] =	sst lr;
	_ =	strace $0xD0000000  }
0x3: {  	_ = 	snop  }
0x4: {  	_ = 	snop  }
0x5: {  	_ = 	snop  }
0x6: {  	_ = 	snop  }
0x7: {  	_ = 	snop  }
__scs_overlays_trampoline_lowered:
0x8: {  	[smem:$0x3FAF] =	sst s0  }
0x9: {  	[smem:$0x3FB0] =	sst s1  }
0xa: {  	[smem:$0x3FB1] =	sst s2  }
0xb: {  	[smem:$0x3FB2] =	sst s3  }
0xc: {  	[smem:$0x3FB3] =	sst s4  }
0xd: {  	[smem:$0x3FB4] =	sst s5  }
0xe: {  	[smem:$0x3FB5] =	sst s6  }
0xf: {  	[smem:$0x3FB6] =	sst s7  }
0x10: {  	[smem:$0x3FB7] =	sst s8  }
0x11: {  	[smem:$0x3FB8] =	sst s9;
	s0 =	simm.s32 @!p0 $0x0  }
0x12: {  	s1 =	sld [smem:$0x3F9E];
	s0 =	simm.s32 @p0 $0x1  }
0x13: {  	[smem:$0x3FB9] =	sst s0;
	s0 =	simm.s32 @!p1 $0x0  }
0x14: {  	s2 =	sld [smem:$0x3F9D];
	s0 =	simm.s32 @p1 $0x1  }
0x15: {  	[smem:$0x3FBA] =	sst s0;
	s0 =	simm.s32 @!p2 $0x0  }
0x16: {  	s3 =	sld [smem:$0x3FDB];
	s0 =	simm.s32 @p2 $0x1  }
0x17: {  	s4 =	simm.s32 $0x1BF5;
	[smem:$0x3FBC] =	sst s0  }
0x18: {  	s0 =	sld [smem:$0x3F9F];
	_ =	swait.ge [sflag:s4], $0x0  }
0x19: {  	s7 =	sld [smem:$0x3FA0]  }
0x1a: {  	s8 =	sadd.s32 $0xFFFFE003, lr  }
0x1b: {  	s9 =	sadd.s32 $0xFFFFFEF7, lr;
	s5 =	simm.s32 $0xFFFFFFFF;
	p2 =	slt.u32 s8, $0xFFFFF086  }
0x1c: {  	p1 =	slt.u32 s9, $0xF7A;
	s5 =	simm.s32 @!p2 $0x0  }
0x1d: {  	s5 =	simm.s32 @p1 $0x1;
	p0 =	seq.s32 s7, s2  }
0x1e: {  	s7 =	smul.u32 @!p0 $0xF7A, s2;
	p2 =	seq.s32 @!p0 s5, $0x0  }
0x1f: {  	s9 =	smul.u32 $0xF7A, s1;
	s8 =	simm.s32 @!p0 $0x1BF5;
	p2 =	por !p2, p0  }
0x20: {  	[sflag:s8] =	ssyncset.s32 @!p0 $0xFFFFF086;
	s6 =	sadd.s32 @!p0 s3, s7;
	s7 =	simm.s32 @!p0 $0x108  }
0x21: {  	s3 =	sadd.s32 s3, s9;
	s6 =	sadd.s32 @!p0 $0x88, s6;
	s7 =	simm.s32 @p2 $0x1082  }
0x22: {  	[simem:s7], [sflag:s8] =	dma.local @!p0 [hbm:s6], $0xF7A  }
0x23: {  	s9 =	sor.u32 $0xD0000000, s2;
	s6 =	simm.s32 $0x108;
	_ =	swait.ge @!p0 [sflag:s8], $0x0  }
0x24: {  	s3 =	sadd.s32 $0x88, s3;
	s6 =	simm.s32 @!p1 $0x1082;
	[sflag:s4] =	ssyncset.s32 $0xFFFFF086  }
0x25: {  	[simem:s6], [sflag:s4] =	dma.local [hbm:s3], $0xF7A  }
0x26: {  	[smem:$0x3FA0] =	sst s1;
	(tag) =	ssettag s2;
	_ =	strace s9  }
0x27: {  	s1 =	sld [smem:$0x3FB0]  }
0x28: {  	s2 =	sld [smem:$0x3FB1]  }
0x29: {  	s4 =	sld [smem:$0x3FB3]  }
0x2a: {  	p0 =	seq.s32 s5, $0x0;
	s5 =	sld [smem:$0x3FB4]  }
0x2b: {  	s6 =	sld [smem:$0x3FB5]  }
0x2c: {  	s7 =	sld [smem:$0x3FB6]  }
0x2d: {  	s3 =	simm.s32 $0x108;
	s8 =	sld [smem:$0x3FB7]  }
0x2e: {  	s3 =	simm.s32 @!p0 $0x1082;
	s9 =	sld [smem:$0x3FB8]  }
0x2f: {  	lr =	sadd.s32 s0, s3;
	s0 =	sld [smem:$0x3FAF]  }
0x30: {  	s3 =	sld [smem:$0x3FB2]  }
0x31: {  	[smem:$0x3FBB] =	sst s10  }
0x32: {  	s10 =	sld [smem:$0x3FB9];
	_ =	sdelay $0x3  }
0x33: {  	p0 =	seq.s32 s10, $0x1;
	s10 =	sld [smem:$0x3FBB];
	_ =	sdelay $0x3  }
0x34: {  	[smem:$0x3FBB] =	sst s10  }
0x35: {  	s10 =	sld [smem:$0x3FBA];
	_ =	sdelay $0x3  }
0x36: {  	p1 =	seq.s32 s10, $0x1;
	s10 =	sld [smem:$0x3FBB];
	_ =	sdelay $0x3  }
0x37: {  	[smem:$0x3FBB] =	sst s10  }
0x38: {  	s10 =	sld [smem:$0x3FBC]  }
0x39: {  	_ = 	snop;
	(pc) =	sbr.ind lr, $3  }
0x3a: {  	_ = 	snop  }
0x3b: {  	_ = 	snop  }
0x3c: {  	p2 =	seq.s32 s10, $0x1;
	s10 =	sld [smem:$0x3FBB]  }
0x3d: {  	_ =	shalt  }
0x3e: {  	_ =	shalt  }
0x3f: {  	_ =	shalt  }
0x40: {  	_ =	shalt  }
0x41: {  	_ =	shalt  }
0x42: {  	_ =	shalt  }
0x43: {  	_ =	shalt  }
0x44: {  	_ =	shalt  }
0x45: {  	_ =	shalt  }
0x46: {  	_ =	shalt  }
0x47: {  	_ =	shalt  }
0x48: {  	_ =	shalt  }
0x49: {  	_ =	shalt  }
0x4a: {  	_ =	shalt  }
0x4b: {  	_ =	shalt  }
0x4c: {  	_ =	shalt  }
0x4d: {  	_ =	shalt  }
0x4e: {  	_ =	shalt  }
0x4f: {  	_ =	shalt  }
0x50: {  	_ =	shalt  }
0x51: {  	_ =	shalt  }
0x52: {  	_ =	shalt  }
0x53: {  	_ =	shalt  }
0x54: {  	_ =	shalt  }
0x55: {  	_ =	shalt  }
0x56: {  	_ =	shalt  }
0x57: {  	_ =	shalt  }
0x58: {  	_ =	shalt  }
0x59: {  	_ =	shalt  }
0x5a: {  	_ =	shalt  }
0x5b: {  	_ =	shalt  }
0x5c: {  	_ =	shalt  }
0x5d: {  	_ =	shalt  }
0x5e: {  	_ =	shalt  }
0x5f: {  	_ =	shalt  }
0x60: {  	_ =	shalt  }
0x61: {  	_ =	shalt  }
0x62: {  	_ =	shalt  }
0x63: {  	_ =	shalt  }
0x64: {  	_ =	shalt  }
0x65: {  	_ =	shalt  }
0x66: {  	_ =	shalt  }
0x67: {  	_ =	shalt  }
0x68: {  	_ =	shalt  }
0x69: {  	_ =	shalt  }
0x6a: {  	_ =	shalt  }
0x6b: {  	_ =	shalt  }
0x6c: {  	_ =	shalt  }
0x6d: {  	_ =	shalt  }
0x6e: {  	_ =	shalt  }
0x6f: {  	_ =	shalt  }
0x70: {  	_ =	shalt  }
0x71: {  	_ =	shalt  }
0x72: {  	_ =	shalt  }
0x73: {  	_ =	shalt  }
0x74: {  	_ =	shalt  }
0x75: {  	_ =	shalt  }
0x76: {  	_ =	shalt  }
0x77: {  	_ =	shalt  }
0x78: {  	_ =	shalt  }
0x79: {  	_ =	shalt  }
0x7a: {  	_ =	shalt  }
0x7b: {  	_ =	shalt  }
0x7c: {  	_ =	shalt  }
0x7d: {  	_ =	shalt  }
0x7e: {  	_ =	shalt  }
0x7f: {  	_ =	shalt  }
0x80: {  	_ =	shalt  }
0x81: {  	_ =	shalt  }
0x82: {  	_ =	shalt  }
0x83: {  	_ =	shalt  }
0x84: {  	_ =	shalt  }
0x85: {  	_ =	shalt  }
0x86: {  	_ =	shalt  }
0x87: {  	_ =	shalt  }
.Lfunc_end0:
.L_simem_size_0:
called_computation_lowered:
.L_overlay_start_0:
0x88: {  	s2 =	sld [smem:$0x3FD9]  }
0x89: {  	s3 =	sld [smem:$0x3FFE];
	_ =	sdelay $0x1  }
0x8a: {  	s1 =	srdreg.scid  }
0x8b: {  	s0 =	sand.u32 $0x1, s1  }
0x8c: {  	s18 =	sshll.u32 s0, $0xA;
	s2 =	sadd.s32 s3, s2  }
0x8d: {  	s2 =	sadd.s32 s2, s18  }
0x8e: {  	[smem:$0x3FC7] =	sst s2  }
0x8f: {  	_ = 	snop  }
0x90: {  	s2 =	sld [smem:$0x3FC9]  }
0x91: {  	s19 =	sld [smem:$0x3FD0];
	(tm) =	ssettm $0x1  }
0x92: {  	s4 =	sld [smem:$0x3FFB];
	_ =	sdelay $0x3  }
0x93: {  	_ =	strace s4  }
0x94: {  	s4 =	sld [smem:$0x3FFC];
	_ =	sdelay $0x3  }
0x95: {  	_ =	strace s4  }
0x96: {  	s4 =	sld [smem:$0x3FFD];
	_ =	sdelay $0x3  }
0x97: {  	_ =	strace s4  }
0x98: {  	_ =	strace $0x8FFFFFFF  }
0x99: {  	s20 =	sld [smem:$0x3FDB];
	_ =	sdelay $0x1  }
0x9a: {  	s5 =	simm.s32 $_scs_section_size  }
0x9b: {  	s6 =	simm.s32 $_size__tile_overlayer_lowered;
	s7 =	simm.s32 $_tile_overlayer_lowered  }
0x9c: {  	s23 =	simm.s32 $0x1BFF;
	s22 =	sshll.u32 s7, $0x1;
	s4 =	sadd.s32 s5, s20  }
0x9d: {  	s8 =	simm.s32 $0x0;
	s21 =	sshll.u32 s6, $0x1;
	s6 =	sadd.s32 s22, s4  }
0x9e: {  	[timem:s8], [sflag:s23] =	dma.local [hbm:s6], s21  }
0x9f: {  	_ =	swait.ge [sflag:s23], s21  }
0xa0: {  	s5 =	ssub.s32 $0x0, s21;
	[sflag:s23] =	ssyncset.done $0x0  }
0xa1: {  	[sflag:s23] =	ssyncadd.s32 s5;
	_ =	sdelay $0x1  }
0xa2: {  	s24 =	simm.s32 $0x1B8B  }
0xa3: {  	_ =	swait.ge [sflag:s24], $0x1  }
0xa4: {  	[sflag:s24] =	ssyncset.done $0x0  }
0xa5: {  	s25 =	simm.s32 $0x1B8E;
	[sflag:s24] =	ssyncadd.s32 $0xFFFFFFFF  }
0xa6: {  	s26 =	simm.s32 $execute0_lowered;
	[smem:$0x3FD2] =	sst s25  }
0xa7: {  	s5 =	sshll.u32 s26, $0x1;
	_ =	strace $0x80000046;
	[dreg:$0x1] =	wrdreg $0xFFFFFFFF  }
0xa8: {  	s28 =	simm.s32 $_size_execute0_lowered;
	s4 =	sadd.s32 s4, s5;
	[dreg:$0x0] =	wrdreg $0x0  }
0xa9: {  	s5 =	sshll.u32 s28, $0x1;
	[dreg:$0x2] =	wrdreg s4  }
0xaa: {  	[dreg:$0x3] =	wrdreg s5  }
0xab: {  	[dreg:$0x4] =	wrdreg $0xC0  }
0xac: {  	_ =	task [dreg:s8], $0x5FFFF  }
0xad: {  	[dreg:$0x1] =	wrdreg $0xFFFFFFFF  }
0xae: {  	[dreg:$0x0] =	wrdreg $0x60  }
0xaf: {  	[dreg:$0x2] =	wrdreg s2  }
0xb0: {  	[dreg:$0x3] =	wrdreg s19  }
0xb1: {  	[dreg:$0x4] =	wrdreg $0x9  }
0xb2: {  	_ =	task.clear_ibuf [dreg:s8], $0x5FFFF;
	_ =	strace $0x90000046  }
0xb3: {  	s29 =	simm.s32 $0x9;
	_ =	strace $0x80000048  }
0xb4: {  	_ =	swait.ge [sflag:s29], $0x1  }
0xb5: {  	[sflag:s29] =	ssyncadd.s32 $0xFFFFFFFF  }
0xb6: {  	_ =	strace $0x90000048  }
0xb7: {  	_ =	sfence  }
0xb8: {  	s30 =	sld [smem:$0x0];
	_ =	sdelay $0x2  }
0xb9: {  	s31 =	sshll.u32 s1, $0xD;
	s1 =	sshrl.u32 s1, $0x2  }
0xba: {  	s3 =	sand.u32 $0x4000, s31;
	s1 =	sadd.s32 s1, s30  }
0xbb: {  	s0 =	sor.u32 s3, s0;
	s1 =	sshll.u32 s1, $0x11  }
0xbc: {  	s0 =	sor.u32 s1, s0  }
0xbd: {  	s0 =	sadd.s32 $0x8F2B, s0  }
0xbe: {  	[sflag:s0] =	ssyncadd.remote.s32 $0x1  }
0xbf: {  	_ =	sfence.sel $0xFFFF  }
0xc0: {  	[dreg:$0x0] =	wrdreg $0xFFFFFFFF;
	(pc) =	sbr.abs _section_cstart, $3  }
0xc1: {  	[dreg:$0x1] =	wrdreg $0xFFFFFFFF  }
0xc2: {  	_ =	task.clear_ibuf [dreg:s8], $0x2FFFF;
	_ =	strace $0x9FFFFFFF  }
0xc3: {  	(tm) =	ssettm $0x7FFFFFFF  }
tec
execute0_lowered:
.L_overlay_start_1:
0x0: {  	(tag) =	ssettag $0x1  }
0x1: {  	s1 =	rddreg [dreg:$0x0]  }
0x2: {  	s6 =	rddreg [dreg:$0x1];
	s2 =	srdreg.scid  }
0x3: {  	s0 =	rddreg [dreg:$0x2];
	s3 =	simm.s32 $0x0;
	s11 =	simm.s32 $0x10000  }
0x4: {  	s12 =	simm.s32 $0x10400;
	s13 =	simm.s32 $0x2;
	s14 =	simm.s32 $0x80  }
0x5: {  	s15 =	simm.s32 $0x400;
	s16 =	simm.s32 $0x3;
	s17 =	simm.s32 $0x0  }
0x6: {  	s4 =	sand.u32 $0x1, s2;
	s2 =	stileid.u32;
	[smem:$0x7FF] =	sst s3  }
0x7: {  	s5 =	ssub.s32 $0x2, s4;
	s8 =	sshll.u32 s2, $0x1;
	_ =	strace $0x80000047  }
0x8: {  	s31 =	sshll.u32 s2, $0x8;
	s7 =	sshrl.u32 s5, $0x1;
	s29 =	sor.u32 s4, s8  }
.Ltmp0:
0x9: {  	s8 =	sand.u32 $0xC00, s31;
	s9 =	ssub.s32 s5, s7;
	(pc) =	sbr.rel .LBB2_1-.Ltmp0, $4  }
0xa: {  	s30 =	sshll.u32 s29, $0x13;
	s4 =	sshll.u32 s29, $0x10;
	s10 =	sshll.u32 s29, $0x4  }
0xb: {  	s8 =	sadd.s32 s6, s8;
	s4 =	sadd.s32 s1, s4;
	s10 =	sand.u32 $0x70, s10  }
0xc: {  	s6 =	sor.u32 $0x10000, s30;
	s7 =	sor.u32 $0x18000, s30;
	s9 =	smax.u32 s9, $0x1  }
0xd: {  	v0 =	vimm.s32 $0x0;
	v1 =	vimm.s32 $0x1;
	s5 =	sadd.s32 $0x1000, s4;
	s8 =	sadd.s32 s10, s8;
	s10 =	simm.s32 $0x1  }
.LBB2_18:
0xe: {  	v2 =	vld [tilespmem:$0x10000]  }
0xf: {  	v3 =	vld [tilespmem:$0x10400]  }
0x10: {  	v4 =	vld [tilespmem:$0x10010]  }
0x11: {  	v5 =	vld [tilespmem:$0x10410]  }
0x12: {  	v6 =	vld [tilespmem:$0x10020]  }
0x13: {  	v7 =	vld [tilespmem:$0x10420]  }
0x14: {  	v8 =	vld [tilespmem:$0x10030]  }
0x15: {  	v9 =	vld [tilespmem:$0x10430]  }
0x16: {  	v10 =	vld [tilespmem:$0x10040]  }
0x17: {  	v11 =	vld [tilespmem:$0x10440]  }
0x18: {  	v12 =	vld [tilespmem:$0x10050]  }
0x19: {  	v13 =	vld [tilespmem:$0x10450]  }
0x1a: {  	v14 =	vld [tilespmem:$0x10060]  }
0x1b: {  	v15 =	vld [tilespmem:$0x10460]  }
0x1c: {  	v16 =	vld [tilespmem:$0x10070]  }
0x1d: {  	v17 =	vld [tilespmem:$0x10470]  }
0x1e: {  	v18 =	vld [tilespmem:$0x10080]  }
0x1f: {  	v19 =	vld [tilespmem:$0x10480]  }
0x20: {  	v20 =	vld [tilespmem:$0x10090]  }
0x21: {  	v21 =	vld [tilespmem:$0x10490]  }
0x22: {  	v22 =	vld [tilespmem:$0x100A0]  }
0x23: {  	v23 =	vld [tilespmem:$0x104A0]  }
0x24: {  	v24 =	vld [tilespmem:$0x100B0]  }
0x25: {  	v25 =	vld [tilespmem:$0x104B0]  }
0x26: {  	v26 =	vld [tilespmem:$0x100C0]  }
0x27: {  	v27 =	vld [tilespmem:$0x104C0]  }
0x28: {  	v28 =	vld [tilespmem:$0x100D0]  }
0x29: {  	v29 =	vld [tilespmem:$0x104D0]  }
0x2a: {  	v30 =	vld [tilespmem:$0x100E0]  }
0x2b: {  	v31 =	vld [tilespmem:$0x104E0]  }
0x2c: {  	v32 =	vld [tilespmem:$0x100F0]  }
0x2d: {  	v33 =	vld [tilespmem:$0x104F0]  }
0x2e: {  	v34 =	vld [tilespmem:$0x10100]  }
0x2f: {  	v35 =	vld [tilespmem:$0x10500]  }
0x30: {  	v36 =	vld [tilespmem:$0x10110]  }
0x31: {  	v37 =	vld [tilespmem:$0x10510]  }
0x32: {  	v38 =	vld [tilespmem:$0x10120]  }
0x33: {  	v39 =	vld [tilespmem:$0x10520]  }
0x34: {  	v40 =	vld [tilespmem:$0x10130]  }
0x35: {  	v41 =	vld [tilespmem:$0x10530]  }
0x36: {  	v42 =	vld [tilespmem:$0x10140]  }
0x37: {  	v43 =	vld [tilespmem:$0x10540]  }
0x38: {  	v44 =	vld [tilespmem:$0x10150]  }
0x39: {  	v45 =	vld [tilespmem:$0x10550]  }
0x3a: {  	v62 =	vld [tilespmem:$0x101E0]  }
0x3b: {  	v46 =	vld [tilespmem:$0x10160]  }
0x3c: {  	v47 =	vld [tilespmem:$0x10560]  }
0x3d: {  	v48 =	vld [tilespmem:$0x10170]  }
0x3e: {  	v49 =	vld [tilespmem:$0x10570]  }
0x3f: {  	[tilespmem:$0x1FF80] =	vst v62;
	v62 =	vld [tilespmem:$0x101F0];
	v2 =	vadd.s32 v2, v3  }
0x40: {  	v50 =	vld [tilespmem:$0x10180];
	[tilespmem:$0x10000] =	vst v2;
	v2 =	vadd.s32 v4, v5  }
0x41: {  	v51 =	vld [tilespmem:$0x10580];
	[tilespmem:$0x10010] =	vst v2;
	v2 =	vadd.s32 v6, v7  }
0x42: {  	v52 =	vld [tilespmem:$0x10190];
	[tilespmem:$0x10020] =	vst v2;
	v2 =	vadd.s32 v8, v9  }
0x43: {  	v53 =	vld [tilespmem:$0x10590];
	[tilespmem:$0x10030] =	vst v2  }
0x44: {  	v54 =	vld [tilespmem:$0x101A0];
	v2 =	vadd.s32 v10, v11;
	[tilespmem:$0x1FF90] =	vst v62  }
0x45: {  	v62 =	vld [tilespmem:$0x105F0];
	[tilespmem:$0x10040] =	vst v2;
	v2 =	vadd.s32 v12, v13  }
0x46: {  	v55 =	vld [tilespmem:$0x105A0];
	[tilespmem:$0x10050] =	vst v2;
	v2 =	vadd.s32 v14, v15  }
0x47: {  	v56 =	vld [tilespmem:$0x101B0];
	[tilespmem:$0x10060] =	vst v2;
	v2 =	vadd.s32 v16, v17  }
0x48: {  	v57 =	vld [tilespmem:$0x105B0];
	[tilespmem:$0x10070] =	vst v2;
	v2 =	vadd.s32 v18, v19  }
0x49: {  	v58 =	vld [tilespmem:$0x101C0];
	[tilespmem:$0x10080] =	vst v2  }
0x4a: {  	v59 =	vld [tilespmem:$0x105C0];
	v2 =	vadd.s32 v20, v21;
	[tilespmem:$0x1FFA0] =	vst v62  }
0x4b: {  	v62 =	vld [tilespmem:$0x10200];
	[tilespmem:$0x10090] =	vst v2;
	v2 =	vadd.s32 v22, v23  }
0x4c: {  	v60 =	vld [tilespmem:$0x101D0];
	[tilespmem:$0x100A0] =	vst v2;
	v2 =	vadd.s32 v24, v25  }
0x4d: {  	v61 =	vld [tilespmem:$0x105D0];
	[tilespmem:$0x100B0] =	vst v2;
	v2 =	vadd.s32 v26, v27  }
0x4e: {  	v63 =	vld [tilespmem:$0x105E0];
	[tilespmem:$0x100C0] =	vst v2;
	v2 =	vadd.s32 v28, v29  }
0x4f: {  	v3 =	vld [tilespmem:$0x10620];
	[tilespmem:$0x100D0] =	vst v2  }
0x50: {  	v4 =	vld [tilespmem:$0x10230];
	v2 =	vadd.s32 v30, v31;
	[tilespmem:$0x1FFB0] =	vst v62  }
0x51: {  	v5 =	vld [tilespmem:$0x10630];
	[tilespmem:$0x100E0] =	vst v2;
	v2 =	vadd.s32 v32, v33  }
0x52: {  	v6 =	vld [tilespmem:$0x10240];
	[tilespmem:$0x100F0] =	vst v2;
	v2 =	vadd.s32 v34, v35  }
0x53: {  	v7 =	vld [tilespmem:$0x10640];
	[tilespmem:$0x10100] =	vst v2;
	v2 =	vadd.s32 v36, v37  }
0x54: {  	v8 =	vld [tilespmem:$0x10250];
	[tilespmem:$0x10110] =	vst v2;
	v2 =	vadd.s32 v38, v39  }
0x55: {  	v9 =	vld [tilespmem:$0x10650];
	[tilespmem:$0x10120] =	vst v2;
	v2 =	vadd.s32 v40, v41  }
0x56: {  	v10 =	vld [tilespmem:$0x10260];
	[tilespmem:$0x10130] =	vst v2;
	v2 =	vadd.s32 v42, v43  }
0x57: {  	v11 =	vld [tilespmem:$0x10660];
	[tilespmem:$0x10140] =	vst v2;
	v2 =	vadd.s32 v44, v45  }
0x58: {  	v12 =	vld [tilespmem:$0x10270];
	[tilespmem:$0x10150] =	vst v2;
	v2 =	vadd.s32 v46, v47  }
0x59: {  	v13 =	vld [tilespmem:$0x10670];
	[tilespmem:$0x10160] =	vst v2;
	v2 =	vadd.s32 v48, v49  }
0x5a: {  	v14 =	vld [tilespmem:$0x10280];
	[tilespmem:$0x10170] =	vst v2;
	v2 =	vadd.s32 v50, v51  }
0x5b: {  	v15 =	vld [tilespmem:$0x10680];
	[tilespmem:$0x10180] =	vst v2;
	v2 =	vadd.s32 v52, v53  }
0x5c: {  	v16 =	vld [tilespmem:$0x10290];
	[tilespmem:$0x10190] =	vst v2;
	v2 =	vadd.s32 v54, v55  }
0x5d: {  	v17 =	vld [tilespmem:$0x10690];
	[tilespmem:$0x101A0] =	vst v2;
	v2 =	vadd.s32 v56, v57  }
0x5e: {  	v18 =	vld [tilespmem:$0x102A0];
	[tilespmem:$0x101B0] =	vst v2;
	v2 =	vadd.s32 v58, v59  }
0x5f: {  	v62 =	vld [tilespmem:$0x10600];
	[tilespmem:$0x101C0] =	vst v2;
	v2 =	vadd.s32 v60, v61  }
0x60: {  	[tilespmem:$0x101D0] =	vst v2;
	v2 =	vld [tilespmem:$0x1FF80]  }
0x61: {  	v19 =	vld [tilespmem:$0x106A0]  }
0x62: {  	v20 =	vld [tilespmem:$0x102B0]  }
0x63: {  	v21 =	vld [tilespmem:$0x106B0]  }
0x64: {  	[tilespmem:$0x1FFC0] =	vst v62;
	v62 =	vld [tilespmem:$0x10210]  }
0x65: {  	v59 =	vld [tilespmem:$0x1FFA0];
	v2 =	vadd.s32 v2, v63  }
0x66: {  	[tilespmem:$0x101E0] =	vst v2;
	v2 =	vld [tilespmem:$0x1FF90]  }
0x67: {  	v22 =	vld [tilespmem:$0x102C0]  }
0x68: {  	v23 =	vld [tilespmem:$0x106C0]  }
0x69: {  	v24 =	vld [tilespmem:$0x102D0]  }
0x6a: {  	[tilespmem:$0x1FFD0] =	vst v62;
	v62 =	vld [tilespmem:$0x10610]  }
0x6b: {  	v61 =	vld [tilespmem:$0x1FFC0];
	v2 =	vadd.s32 v2, v59  }
0x6c: {  	[tilespmem:$0x101F0] =	vst v2;
	v2 =	vld [tilespmem:$0x1FFB0]  }
0x6d: {  	v25 =	vld [tilespmem:$0x106D0]  }
0x6e: {  	v26 =	vld [tilespmem:$0x102E0]  }
0x6f: {  	v27 =	vld [tilespmem:$0x106E0]  }
0x70: {  	[tilespmem:$0x1FFE0] =	vst v62;
	v62 =	vld [tilespmem:$0x10220]  }
0x71: {  	v63 =	vld [tilespmem:$0x1FFE0];
	v2 =	vadd.s32 v2, v61  }
0x72: {  	[tilespmem:$0x10200] =	vst v2;
	v2 =	vld [tilespmem:$0x1FFD0]  }
0x73: {  	v40 =	vld [tilespmem:$0x10330]  }
0x74: {  	v41 =	vld [tilespmem:$0x10340]  }
0x75: {  	v42 =	vld [tilespmem:$0x10740]  }
0x76: {  	v43 =	vld [tilespmem:$0x10350]  }
0x77: {  	v44 =	vld [tilespmem:$0x10750];
	[tilespmem:$0x1FFF0] =	vst v62;
	v2 =	vadd.s32 v2, v63  }
0x78: {  	[tilespmem:$0x10210] =	vst v2;
	v2 =	vld [tilespmem:$0x1FFF0]  }
0x79: {  	v45 =	vld [tilespmem:$0x10360]  }
0x7a: {  	v46 =	vld [tilespmem:$0x10760]  }
0x7b: {  	v47 =	vld [tilespmem:$0x10370]  }
0x7c: {  	v48 =	vld [tilespmem:$0x10770]  }
0x7d: {  	v49 =	vld [tilespmem:$0x10380];
	v2 =	vadd.s32 v2, v3  }
0x7e: {  	v50 =	vld [tilespmem:$0x10780];
	[tilespmem:$0x10220] =	vst v2;
	v2 =	vadd.s32 v4, v5  }
0x7f: {  	v51 =	vld [tilespmem:$0x10390];
	[tilespmem:$0x10230] =	vst v2;
	v2 =	vadd.s32 v6, v7  }
0x80: {  	v53 =	vld [tilespmem:$0x102F0];
	[tilespmem:$0x10240] =	vst v2;
	v2 =	vadd.s32 v8, v9  }
0x81: {  	v52 =	vld [tilespmem:$0x10790];
	[tilespmem:$0x10250] =	vst v2;
	v2 =	vadd.s32 v10, v11  }
0x82: {  	v54 =	vld [tilespmem:$0x106F0];
	[tilespmem:$0x10260] =	vst v2;
	v2 =	vadd.s32 v12, v13  }
0x83: {  	v55 =	vld [tilespmem:$0x10300];
	[tilespmem:$0x10270] =	vst v2;
	v2 =	vadd.s32 v14, v15  }
0x84: {  	v56 =	vld [tilespmem:$0x10700];
	[tilespmem:$0x10280] =	vst v2;
	v2 =	vadd.s32 v16, v17  }
0x85: {  	v57 =	vld [tilespmem:$0x10310];
	[tilespmem:$0x10290] =	vst v2;
	v2 =	vadd.s32 v18, v19  }
0x86: {  	v58 =	vld [tilespmem:$0x10710];
	[tilespmem:$0x102A0] =	vst v2;
	v2 =	vadd.s32 v20, v21  }
0x87: {  	v60 =	vld [tilespmem:$0x10320];
	[tilespmem:$0x102B0] =	vst v2;
	v2 =	vadd.s32 v22, v23  }
0x88: {  	v62 =	vld [tilespmem:$0x10720];
	[tilespmem:$0x102C0] =	vst v2;
	v2 =	vadd.s32 v24, v25  }
0x89: {  	v3 =	vld [tilespmem:$0x10730];
	[tilespmem:$0x102D0] =	vst v2;
	v2 =	vadd.s32 v26, v27  }
0x8a: {  	v59 =	vld [tilespmem:$0x107D0];
	[tilespmem:$0x102E0] =	vst v2;
	v2 =	vadd.s32 v53, v54  }
0x8b: {  	v61 =	vld [tilespmem:$0x107E0];
	[tilespmem:$0x102F0] =	vst v2;
	v2 =	vadd.s32 v55, v56  }
0x8c: {  	v63 =	vld [tilespmem:$0x107F0];
	[tilespmem:$0x10300] =	vst v2;
	v2 =	vadd.s32 v57, v58  }
0x8d: {  	v53 =	vld [tilespmem:$0x103A0];
	[tilespmem:$0x10310] =	vst v2;
	v2 =	vadd.s32 v60, v62  }
0x8e: {  	v54 =	vld [tilespmem:$0x107A0];
	[tilespmem:$0x10320] =	vst v2;
	v2 =	vadd.s32 v40, v3  }
0x8f: {  	v55 =	vld [tilespmem:$0x103B0];
	[tilespmem:$0x10330] =	vst v2;
	v2 =	vadd.s32 v41, v42  }
0x90: {  	v56 =	vld [tilespmem:$0x107B0];
	[tilespmem:$0x10340] =	vst v2;
	v2 =	vadd.s32 v43, v44  }
0x91: {  	v57 =	vld [tilespmem:$0x107C0];
	[tilespmem:$0x10350] =	vst v2;
	v2 =	vadd.s32 v45, v46  }
0x92: {  	v3 =	vld [tilespmem:$0x103C0];
	[tilespmem:$0x10360] =	vst v2;
	v2 =	vadd.s32 v47, v48  }
0x93: {  	v58 =	vld [tilespmem:$0x103D0];
	[tilespmem:$0x10370] =	vst v2;
	v2 =	vadd.s32 v49, v50  }
0x94: {  	v60 =	vld [tilespmem:$0x103E0];
	[tilespmem:$0x10380] =	vst v2;
	v2 =	vadd.s32 v51, v52  }
0x95: {  	v62 =	vld [tilespmem:$0x103F0];
	[tilespmem:$0x10390] =	vst v2;
	v2 =	vadd.s32 v53, v54  }
0x96: {  	[tilespmem:$0x103A0] =	vst v2;
	v2 =	vadd.s32 v55, v56  }
0x97: {  	[tilespmem:$0x103B0] =	vst v2;
	v2 =	vadd.s32 v3, v57  }
0x98: {  	[tilespmem:$0x103C0] =	vst v2;
	v2 =	vadd.s32 v58, v59  }
0x99: {  	s17 =	sadd.s32 $0x1, s17;
	[tilespmem:$0x103D0] =	vst v2;
	v2 =	vadd.s32 v60, v61  }
0x9a: {  	p0 =	sne.s32 s17, s9;
	[tilespmem:$0x103E0] =	vst v2;
	v2 =	vadd.s32 v62, v63  }
.Ltmp1:
0x9b: {  	[tilespmem:$0x103F0] =	vst v2;
	(pc) =	sbr.rel @!p0 .LBB2_19-.Ltmp1, $4  }
0x9c: {  	[hbm4b:s8+s14] =	stream.strided.scatter [tilespmem:s11], [sflag:$0x3], $0x400, s15, s14, $0x38;
	[tilespmem:$0x10800] =	vst v63  }
0x9d: {  	_ =	swait.ge [sflag:s16], $0x400  }
0x9e: {  	[sflag:s16] =	ssyncset.done $0x0  }
0x9f: {  	[sflag:s16] =	ssyncadd.s32 $0xFFFFFC00  }
.LBB2_1:
0xa0: {  	[tilespmem:$0x10000] =	vst v0  }
0xa1: {  	[tilespmem:$0x10400] =	vst v0  }
0xa2: {  	[tilespmem:$0x10010] =	vst v0  }
0xa3: {  	[tilespmem:$0x10410] =	vst v0  }
0xa4: {  	[tilespmem:$0x10020] =	vst v0  }
0xa5: {  	[tilespmem:$0x10420] =	vst v0  }
0xa6: {  	[tilespmem:$0x10030] =	vst v0  }
0xa7: {  	[tilespmem:$0x10430] =	vst v0  }
0xa8: {  	[tilespmem:$0x10040] =	vst v0  }
0xa9: {  	[tilespmem:$0x10440] =	vst v0  }
0xaa: {  	[tilespmem:$0x10050] =	vst v0  }
0xab: {  	[tilespmem:$0x10450] =	vst v0  }
0xac: {  	[tilespmem:$0x10060] =	vst v0  }
0xad: {  	[tilespmem:$0x10460] =	vst v0  }
0xae: {  	[tilespmem:$0x10070] =	vst v0  }
0xaf: {  	[tilespmem:$0x10470] =	vst v0  }
0xb0: {  	[tilespmem:$0x10080] =	vst v0  }
0xb1: {  	[tilespmem:$0x10480] =	vst v0  }
0xb2: {  	[tilespmem:$0x10090] =	vst v0  }
0xb3: {  	[tilespmem:$0x10490] =	vst v0  }
0xb4: {  	[tilespmem:$0x100A0] =	vst v0  }
0xb5: {  	[tilespmem:$0x104A0] =	vst v0  }
0xb6: {  	[tilespmem:$0x100B0] =	vst v0  }
0xb7: {  	[tilespmem:$0x104B0] =	vst v0  }
0xb8: {  	[tilespmem:$0x100C0] =	vst v0  }
0xb9: {  	[tilespmem:$0x104C0] =	vst v0  }
0xba: {  	[tilespmem:$0x100D0] =	vst v0  }
0xbb: {  	[tilespmem:$0x104D0] =	vst v0  }
0xbc: {  	[tilespmem:$0x100E0] =	vst v0  }
0xbd: {  	[tilespmem:$0x104E0] =	vst v0  }
0xbe: {  	[tilespmem:$0x100F0] =	vst v0  }
0xbf: {  	[tilespmem:$0x104F0] =	vst v0  }
0xc0: {  	[tilespmem:$0x10100] =	vst v0  }
0xc1: {  	[tilespmem:$0x10500] =	vst v0  }
0xc2: {  	[tilespmem:$0x10110] =	vst v0  }
0xc3: {  	[tilespmem:$0x10510] =	vst v0  }
0xc4: {  	[tilespmem:$0x10120] =	vst v0  }
0xc5: {  	[tilespmem:$0x10520] =	vst v0  }
0xc6: {  	[tilespmem:$0x10130] =	vst v0  }
0xc7: {  	[tilespmem:$0x10530] =	vst v0  }
0xc8: {  	[tilespmem:$0x10140] =	vst v0  }
0xc9: {  	[tilespmem:$0x10540] =	vst v0  }
0xca: {  	[tilespmem:$0x10150] =	vst v0  }
0xcb: {  	[tilespmem:$0x10550] =	vst v0  }
0xcc: {  	[tilespmem:$0x10160] =	vst v0  }
0xcd: {  	[tilespmem:$0x10560] =	vst v0  }
0xce: {  	[tilespmem:$0x10170] =	vst v0  }
0xcf: {  	[tilespmem:$0x10570] =	vst v0  }
0xd0: {  	[tilespmem:$0x10180] =	vst v0  }
0xd1: {  	[tilespmem:$0x10580] =	vst v0  }
0xd2: {  	[tilespmem:$0x10190] =	vst v0  }
0xd3: {  	[tilespmem:$0x10590] =	vst v0  }
0xd4: {  	[tilespmem:$0x101A0] =	vst v0  }
0xd5: {  	[tilespmem:$0x105A0] =	vst v0  }
0xd6: {  	[tilespmem:$0x101B0] =	vst v0  }
0xd7: {  	[tilespmem:$0x105B0] =	vst v0  }
0xd8: {  	[tilespmem:$0x101C0] =	vst v0  }
0xd9: {  	[tilespmem:$0x105C0] =	vst v0  }
0xda: {  	[tilespmem:$0x101D0] =	vst v0  }
0xdb: {  	[tilespmem:$0x105D0] =	vst v0  }
0xdc: {  	[tilespmem:$0x101E0] =	vst v0  }
0xdd: {  	[tilespmem:$0x105E0] =	vst v0  }
0xde: {  	[tilespmem:$0x101F0] =	vst v0  }
0xdf: {  	[tilespmem:$0x105F0] =	vst v0  }
0xe0: {  	[tilespmem:$0x10200] =	vst v0  }
0xe1: {  	[tilespmem:$0x10600] =	vst v0  }
0xe2: {  	[tilespmem:$0x10210] =	vst v0  }
0xe3: {  	[tilespmem:$0x10610] =	vst v0  }
0xe4: {  	[tilespmem:$0x10220] =	vst v0  }
0xe5: {  	[tilespmem:$0x10620] =	vst v0  }
0xe6: {  	[tilespmem:$0x10230] =	vst v0  }
0xe7: {  	[tilespmem:$0x10630] =	vst v0  }
0xe8: {  	[tilespmem:$0x10240] =	vst v0  }
0xe9: {  	[tilespmem:$0x10640] =	vst v0  }
0xea: {  	[tilespmem:$0x10250] =	vst v0  }
0xeb: {  	[tilespmem:$0x10650] =	vst v0  }
0xec: {  	[tilespmem:$0x10260] =	vst v0  }
0xed: {  	[tilespmem:$0x10660] =	vst v0  }
0xee: {  	[tilespmem:$0x10270] =	vst v0  }
0xef: {  	[tilespmem:$0x10670] =	vst v0  }
0xf0: {  	[tilespmem:$0x10280] =	vst v0  }
0xf1: {  	[tilespmem:$0x10680] =	vst v0  }
0xf2: {  	[tilespmem:$0x10290] =	vst v0  }
0xf3: {  	[tilespmem:$0x10690] =	vst v0  }
0xf4: {  	[tilespmem:$0x102A0] =	vst v0  }
0xf5: {  	[tilespmem:$0x106A0] =	vst v0  }
0xf6: {  	[tilespmem:$0x102B0] =	vst v0  }
0xf7: {  	[tilespmem:$0x106B0] =	vst v0  }
0xf8: {  	[tilespmem:$0x102C0] =	vst v0  }
0xf9: {  	[tilespmem:$0x106C0] =	vst v0  }
0xfa: {  	[tilespmem:$0x102D0] =	vst v0  }
0xfb: {  	[tilespmem:$0x106D0] =	vst v0  }
0xfc: {  	[tilespmem:$0x102E0] =	vst v0  }
0xfd: {  	[tilespmem:$0x106E0] =	vst v0  }
0xfe: {  	[tilespmem:$0x102F0] =	vst v0  }
0xff: {  	[tilespmem:$0x106F0] =	vst v0  }
0x100: {  	[tilespmem:$0x10300] =	vst v0  }
0x101: {  	[tilespmem:$0x10700] =	vst v0  }
0x102: {  	[tilespmem:$0x10310] =	vst v0  }
0x103: {  	[tilespmem:$0x10710] =	vst v0  }
0x104: {  	[tilespmem:$0x10320] =	vst v0  }
0x105: {  	[tilespmem:$0x10720] =	vst v0  }
0x106: {  	[tilespmem:$0x10330] =	vst v0  }
0x107: {  	[tilespmem:$0x10730] =	vst v0  }
0x108: {  	[tilespmem:$0x10340] =	vst v0  }
0x109: {  	[tilespmem:$0x10740] =	vst v0  }
0x10a: {  	[tilespmem:$0x10350] =	vst v0  }
0x10b: {  	[tilespmem:$0x10750] =	vst v0  }
0x10c: {  	[tilespmem:$0x10360] =	vst v0  }
0x10d: {  	[tilespmem:$0x10760] =	vst v0  }
0x10e: {  	[tilespmem:$0x10370] =	vst v0  }
0x10f: {  	[tilespmem:$0x10770] =	vst v0  }
0x110: {  	[tilespmem:$0x10380] =	vst v0  }
0x111: {  	[tilespmem:$0x10780] =	vst v0  }
0x112: {  	[tilespmem:$0x10390] =	vst v0  }
0x113: {  	[tilespmem:$0x10790] =	vst v0  }
0x114: {  	[tilespmem:$0x103A0] =	vst v0  }
0x115: {  	[tilespmem:$0x107A0] =	vst v0  }
0x116: {  	[tilespmem:$0x103B0] =	vst v0  }
0x117: {  	[tilespmem:$0x107B0] =	vst v0  }
0x118: {  	[tilespmem:$0x103C0] =	vst v0  }
0x119: {  	[tilespmem:$0x107C0] =	vst v0  }
0x11a: {  	[tilespmem:$0x103D0] =	vst v0  }
0x11b: {  	[tilespmem:$0x107D0] =	vst v0  }
0x11c: {  	[tilespmem:$0x103E0] =	vst v0  }
0x11d: {  	[tilespmem:$0x107E0] =	vst v0  }
0x11e: {  	[tilespmem:$0x103F0] =	vst v0;
	s18 =	simm.s32 $0x10  }
0x11f: {  	[tilespmem:$0x107F0] =	vst v0;
	s21 =	sadd.s32 $0x0, s4;
	s19 =	simm.s32 $0x100;
	s20 =	simm.s32 $0x0  }
.LBB2_2:
0x120: {  	[tilespmem:s20], [sflag:$0x1] =	stream.linear.gather [hbm4b:s21+s3], $0x80, $0x38;
	[tilespmem:$0x10800] =	vst v63  }
0x121: {  	s21 =	smov.u32 s18;
	s20 =	smov.u32 s19;
	p0 =	sne.s32 s18, $0xFF0  }
.Ltmp2:
0x122: {  	s18 =	sadd.s32 $0x10, s18;
	(pc) =	sbr.rel @p0 .LBB2_2-.Ltmp2, $2  }
0x123: {  	_ =	sdelay $0x2  }
0x124: {  	s19 =	sadd.s32 $0x100, s19;
	s21 =	sadd.s32 s21, s4  }
0x125: {  	[tilespmem:s20], [sflag:$0x1] =	stream.linear.gather [hbm4b:s21+s3], $0x80, $0x38;
	[tilespmem:$0x10800] =	vst v63  }
0x126: {  	s18 =	simm.s32 $0x0;
	s19 =	simm.s32 $0x80  }
0x127: {  	s20 =	simm.s32 $0x10;
	s22 =	sadd.s32 $0x0, s5;
	s21 =	simm.s32 $0x180  }
.LBB2_4:
0x128: {  	[tilespmem:s19], [sflag:$0x2] =	stream.linear.gather [hbm4b:s22+s18], $0x80, $0x38;
	[tilespmem:$0x10800] =	vst v63  }
0x129: {  	s22 =	smov.u32 s20;
	s19 =	smov.u32 s21;
	p0 =	sne.s32 s20, $0xFF0  }
.Ltmp3:
0x12a: {  	s20 =	sadd.s32 $0x10, s20;
	(pc) =	sbr.rel @p0 .LBB2_4-.Ltmp3, $2  }
0x12b: {  	_ =	sdelay $0x2  }
0x12c: {  	s21 =	sadd.s32 $0x100, s21;
	s22 =	sadd.s32 s22, s5  }
0x12d: {  	[tilespmem:s19], [sflag:$0x2] =	stream.linear.gather [hbm4b:s22+s18], $0x80, $0x38;
	[tilespmem:$0x10800] =	vst v63  }
.LBB2_6:
0x12e: {  	_ =	swait.ge [sflag:s10], $0x8000  }
0x12f: {  	[sflag:s10] =	ssyncset.done $0x0  }
0x130: {  	s19 =	simm.s32 $0x100;
	[sflag:s10] =	ssyncadd.s32 $0xFFFF8000  }
0x131: {  	v3 =	vld [tilespmem:s19+$0xFFFFFF50]  }
0x132: {  	v2 =	vld [tilespmem:s19+$0xFFFFFF30]  }
0x133: {  	v4 =	vld [tilespmem:s19+$0xFFFFFF70]  }
0x134: {  	v5 =	vld [tilespmem:s19+$0x10]  }
0x135: {  	v10 =	vld [tilespmem:s19+$0xFFFFFF10]  }
0x136: {  	v11 =	vld [tilespmem:s19+$0xFFFFFF00]  }
0x137: {  	v6 =	vld [tilespmem:s19+$0x30]  }
0x138: {  	v12 =	vld [tilespmem:s19+$0x50]  }
0x139: {  	v13 =	vld [tilespmem:s19+$0x70]  }
0x13a: {  	v14 =	vld [tilespmem:s19+$0x60]  }
0x13b: {  	v15 =	vld [tilespmem:s19+$0x40]  }
0x13c: {  	v16 =	vld [tilespmem:s19+$0x20]  }
0x13d: {  	v17 =	vld [tilespmem:s19+$0x0]  }
0x13e: {  	v9 =	vld [tilespmem:s19+$0xFFFFFF60]  }
0x13f: {  	v7 =	vld [tilespmem:s19+$0xFFFFFF40]  }
0x140: {  	v8 =	vld [tilespmem:s19+$0xFFFFFF20]  }
0x141: {  	[tilespmem:v11+s11+$0x0] =	vst.idx.add.s32.msk $0xffff, v1  }
0x142: {  	[tilespmem:v14+s11+$0x0] =	vst.idx.add.s32.msk $0xffff, v1  }
0x143: {  	[tilespmem:v15+s11+$0x0] =	vst.idx.add.s32.msk $0xffff, v1  }
0x144: {  	[tilespmem:v16+s11+$0x0] =	vst.idx.add.s32.msk $0xffff, v1  }
0x145: {  	[tilespmem:v17+s11+$0x0] =	vst.idx.add.s32.msk $0xffff, v1  }
0x146: {  	[tilespmem:v10+s12+$0x0] =	vst.idx.add.s32.msk $0xffff, v1  }
0x147: {  	[tilespmem:v13+s12+$0x0] =	vst.idx.add.s32.msk $0xffff, v1  }
0x148: {  	s20 =	simm.s32 $0x0;
	[tilespmem:v12+s12+$0x0] =	vst.idx.add.s32.msk $0xffff, v1  }
.LBB2_7:
0x149: {  	s20 =	sadd.s32 $0x8, s20;
	[tilespmem:v6+s12+$0x0] =	vst.idx.add.s32.msk $0xffff, v1;
	s19 =	sadd.s32 $0x200, s19  }
0x14a: {  	p0 =	slt.u32 s20, $0x3F8;
	[tilespmem:v5+s12+$0x0] =	vst.idx.add.s32.msk $0xffff, v1  }
0x14b: {  	[tilespmem:v9+s11+$0x0] =	vst.idx.add.s32.msk $0xffff, v1  }
0x14c: {  	[tilespmem:v4+s12+$0x0] =	vst.idx.add.s32.msk $0xffff, v1  }
0x14d: {  	[tilespmem:v7+s11+$0x0] =	vst.idx.add.s32.msk $0xffff, v1  }
0x14e: {  	[tilespmem:v8+s11+$0x0] =	vst.idx.add.s32.msk $0xffff, v1  }
0x14f: {  	[tilespmem:v3+s12+$0x0] =	vst.idx.add.s32.msk $0xffff, v1  }
0x150: {  	[tilespmem:v2+s12+$0x0] =	vst.idx.add.s32.msk $0xffff, v1  }
0x151: {  	v3 =	vld [tilespmem:s19+$0xFFFFFF50]  }
0x152: {  	v2 =	vld [tilespmem:s19+$0xFFFFFF30]  }
0x153: {  	v4 =	vld [tilespmem:s19+$0xFFFFFF70]  }
0x154: {  	v5 =	vld [tilespmem:s19+$0x10]  }
0x155: {  	v10 =	vld [tilespmem:s19+$0xFFFFFF10]  }
0x156: {  	v11 =	vld [tilespmem:s19+$0xFFFFFF00]  }
0x157: {  	v6 =	vld [tilespmem:s19+$0x30]  }
0x158: {  	v12 =	vld [tilespmem:s19+$0x50]  }
0x159: {  	v13 =	vld [tilespmem:s19+$0x70]  }
0x15a: {  	v14 =	vld [tilespmem:s19+$0x60]  }
0x15b: {  	v15 =	vld [tilespmem:s19+$0x40]  }
0x15c: {  	v16 =	vld [tilespmem:s19+$0x20]  }
0x15d: {  	v17 =	vld [tilespmem:s19+$0x0]  }
0x15e: {  	v9 =	vld [tilespmem:s19+$0xFFFFFF60]  }
0x15f: {  	v7 =	vld [tilespmem:s19+$0xFFFFFF40]  }
0x160: {  	v8 =	vld [tilespmem:s19+$0xFFFFFF20]  }
0x161: {  	[tilespmem:v11+s11+$0x0] =	vst.idx.add.s32.msk $0xffff, v1  }
0x162: {  	[tilespmem:v14+s11+$0x0] =	vst.idx.add.s32.msk $0xffff, v1  }
0x163: {  	[tilespmem:v10+s12+$0x0] =	vst.idx.add.s32.msk $0xffff, v1  }
.Ltmp4:
0x164: {  	[tilespmem:v15+s11+$0x0] =	vst.idx.add.s32.msk $0xffff, v1;
	(pc) =	sbr.rel @p0 .LBB2_7-.Ltmp4, $4  }
0x165: {  	[tilespmem:v13+s12+$0x0] =	vst.idx.add.s32.msk $0xffff, v1  }
0x166: {  	[tilespmem:v16+s11+$0x0] =	vst.idx.add.s32.msk $0xffff, v1  }
0x167: {  	[tilespmem:v12+s12+$0x0] =	vst.idx.add.s32.msk $0xffff, v1  }
0x168: {  	[tilespmem:v17+s11+$0x0] =	vst.idx.add.s32.msk $0xffff, v1  }
0x169: {  	_ =	sdelay $0x3  }
0x16a: {  	[tilespmem:v6+s12+$0x0] =	vst.idx.add.s32.msk $0xffff, v1  }
0x16b: {  	[tilespmem:v5+s12+$0x0] =	vst.idx.add.s32.msk $0xffff, v1  }
0x16c: {  	[tilespmem:v9+s11+$0x0] =	vst.idx.add.s32.msk $0xffff, v1;
	p0 =	seq.s32 s18, $0x7  }
.Ltmp5:
0x16d: {  	[tilespmem:v7+s11+$0x0] =	vst.idx.add.s32.msk $0xffff, v1;
	(pc) =	sbr.rel @p0 .LBB2_12-.Ltmp5, $4  }
0x16e: {  	[tilespmem:v8+s11+$0x0] =	vst.idx.add.s32.msk $0xffff, v1  }
0x16f: {  	[tilespmem:v4+s12+$0x0] =	vst.idx.add.s32.msk $0xffff, v1  }
0x170: {  	[tilespmem:v3+s12+$0x0] =	vst.idx.add.s32.msk $0xffff, v1  }
0x171: {  	s19 =	sshll.u32 s18, $0x10;
	[tilespmem:v2+s12+$0x0] =	vst.idx.add.s32.msk $0xffff, v1  }
0x172: {  	s20 =	sadd.s32 s19, s6  }
0x173: {  	s20 =	sshrl.u32 s20, $0x3  }
0x174: {  	s21 =	simm.s32 $0x0;
	s20 =	sadd.s32 s1, s20  }
0x175: {  	s22 =	simm.s32 $0x10;
	s23 =	simm.s32 $0x100;
	s24 =	sadd.s32 $0x0, s20  }
.LBB2_10:
0x176: {  	[tilespmem:s21], [sflag:$0x1] =	stream.linear.gather [hbm4b:s24+s3], $0x80, $0x38;
	[tilespmem:$0x10800] =	vst v63  }
0x177: {  	s24 =	smov.u32 s22;
	s21 =	smov.u32 s23;
	p1 =	sne.s32 s22, $0xFF0  }
.Ltmp6:
0x178: {  	s22 =	sadd.s32 $0x10, s22;
	(pc) =	sbr.rel @p1 .LBB2_10-.Ltmp6, $2  }
0x179: {  	_ =	sdelay $0x2  }
0x17a: {  	s23 =	sadd.s32 $0x100, s23;
	s24 =	sadd.s32 s24, s20  }
0x17b: {  	[tilespmem:s21], [sflag:$0x1] =	stream.linear.gather [hbm4b:s24+s3], $0x80, $0x38;
	[tilespmem:$0x10800] =	vst v63  }
.LBB2_12:
0x17c: {  	_ =	swait.ge [sflag:s13], $0x8000  }
0x17d: {  	[sflag:s13] =	ssyncset.done $0x0  }
0x17e: {  	s20 =	simm.s32 $0x180;
	[sflag:s13] =	ssyncadd.s32 $0xFFFF8000  }
0x17f: {  	v2 =	vld [tilespmem:s20+$0xFFFFFF50]  }
0x180: {  	v3 =	vld [tilespmem:s20+$0xFFFFFF30]  }
0x181: {  	v4 =	vld [tilespmem:s20+$0xFFFFFF70]  }
0x182: {  	v5 =	vld [tilespmem:s20+$0x10]  }
0x183: {  	v10 =	vld [tilespmem:s20+$0xFFFFFF10]  }
0x184: {  	v11 =	vld [tilespmem:s20+$0xFFFFFF00]  }
0x185: {  	v6 =	vld [tilespmem:s20+$0x30]  }
0x186: {  	v12 =	vld [tilespmem:s20+$0x50]  }
0x187: {  	v13 =	vld [tilespmem:s20+$0x70]  }
0x188: {  	v14 =	vld [tilespmem:s20+$0x60]  }
0x189: {  	v15 =	vld [tilespmem:s20+$0x40]  }
0x18a: {  	v16 =	vld [tilespmem:s20+$0x20]  }
0x18b: {  	v17 =	vld [tilespmem:s20+$0x0]  }
0x18c: {  	v9 =	vld [tilespmem:s20+$0xFFFFFF60]  }
0x18d: {  	v7 =	vld [tilespmem:s20+$0xFFFFFF40]  }
0x18e: {  	v8 =	vld [tilespmem:s20+$0xFFFFFF20]  }
0x18f: {  	[tilespmem:v11+s11+$0x0] =	vst.idx.add.s32.msk $0xffff, v1  }
0x190: {  	[tilespmem:v14+s11+$0x0] =	vst.idx.add.s32.msk $0xffff, v1  }
0x191: {  	[tilespmem:v15+s11+$0x0] =	vst.idx.add.s32.msk $0xffff, v1  }
0x192: {  	[tilespmem:v16+s11+$0x0] =	vst.idx.add.s32.msk $0xffff, v1  }
0x193: {  	[tilespmem:v17+s11+$0x0] =	vst.idx.add.s32.msk $0xffff, v1  }
0x194: {  	[tilespmem:v10+s12+$0x0] =	vst.idx.add.s32.msk $0xffff, v1  }
0x195: {  	[tilespmem:v13+s12+$0x0] =	vst.idx.add.s32.msk $0xffff, v1  }
0x196: {  	s21 =	simm.s32 $0x0;
	[tilespmem:v12+s12+$0x0] =	vst.idx.add.s32.msk $0xffff, v1  }
.LBB2_13:
0x197: {  	s21 =	sadd.s32 $0x8, s21;
	[tilespmem:v6+s12+$0x0] =	vst.idx.add.s32.msk $0xffff, v1;
	s20 =	sadd.s32 $0x200, s20  }
0x198: {  	p1 =	slt.u32 s21, $0x3F8;
	[tilespmem:v5+s12+$0x0] =	vst.idx.add.s32.msk $0xffff, v1  }
0x199: {  	[tilespmem:v9+s11+$0x0] =	vst.idx.add.s32.msk $0xffff, v1  }
0x19a: {  	[tilespmem:v4+s12+$0x0] =	vst.idx.add.s32.msk $0xffff, v1  }
0x19b: {  	[tilespmem:v7+s11+$0x0] =	vst.idx.add.s32.msk $0xffff, v1  }
0x19c: {  	[tilespmem:v8+s11+$0x0] =	vst.idx.add.s32.msk $0xffff, v1  }
0x19d: {  	[tilespmem:v2+s12+$0x0] =	vst.idx.add.s32.msk $0xffff, v1  }
0x19e: {  	[tilespmem:v3+s12+$0x0] =	vst.idx.add.s32.msk $0xffff, v1  }
0x19f: {  	v2 =	vld [tilespmem:s20+$0xFFFFFF50]  }
0x1a0: {  	v3 =	vld [tilespmem:s20+$0xFFFFFF30]  }
0x1a1: {  	v4 =	vld [tilespmem:s20+$0xFFFFFF70]  }
0x1a2: {  	v5 =	vld [tilespmem:s20+$0x10]  }
0x1a3: {  	v10 =	vld [tilespmem:s20+$0xFFFFFF10]  }
0x1a4: {  	v11 =	vld [tilespmem:s20+$0xFFFFFF00]  }
0x1a5: {  	v6 =	vld [tilespmem:s20+$0x30]  }
0x1a6: {  	v12 =	vld [tilespmem:s20+$0x50]  }
0x1a7: {  	v13 =	vld [tilespmem:s20+$0x70]  }
0x1a8: {  	v14 =	vld [tilespmem:s20+$0x60]  }
0x1a9: {  	v15 =	vld [tilespmem:s20+$0x40]  }
0x1aa: {  	v16 =	vld [tilespmem:s20+$0x20]  }
0x1ab: {  	v17 =	vld [tilespmem:s20+$0x0]  }
0x1ac: {  	v9 =	vld [tilespmem:s20+$0xFFFFFF60]  }
0x1ad: {  	v7 =	vld [tilespmem:s20+$0xFFFFFF40]  }
0x1ae: {  	v8 =	vld [tilespmem:s20+$0xFFFFFF20]  }
0x1af: {  	[tilespmem:v11+s11+$0x0] =	vst.idx.add.s32.msk $0xffff, v1  }
0x1b0: {  	[tilespmem:v14+s11+$0x0] =	vst.idx.add.s32.msk $0xffff, v1  }
0x1b1: {  	[tilespmem:v10+s12+$0x0] =	vst.idx.add.s32.msk $0xffff, v1  }
.Ltmp7:
0x1b2: {  	[tilespmem:v15+s11+$0x0] =	vst.idx.add.s32.msk $0xffff, v1;
	(pc) =	sbr.rel @p1 .LBB2_13-.Ltmp7, $4  }
0x1b3: {  	[tilespmem:v13+s12+$0x0] =	vst.idx.add.s32.msk $0xffff, v1  }
0x1b4: {  	[tilespmem:v16+s11+$0x0] =	vst.idx.add.s32.msk $0xffff, v1  }
0x1b5: {  	[tilespmem:v12+s12+$0x0] =	vst.idx.add.s32.msk $0xffff, v1  }
0x1b6: {  	[tilespmem:v17+s11+$0x0] =	vst.idx.add.s32.msk $0xffff, v1  }
0x1b7: {  	_ =	sdelay $0x3  }
0x1b8: {  	[tilespmem:v6+s12+$0x0] =	vst.idx.add.s32.msk $0xffff, v1  }
0x1b9: {  	[tilespmem:v5+s12+$0x0] =	vst.idx.add.s32.msk $0xffff, v1  }
0x1ba: {  	[tilespmem:v9+s11+$0x0] =	vst.idx.add.s32.msk $0xffff, v1  }
.Ltmp8:
0x1bb: {  	[tilespmem:v7+s11+$0x0] =	vst.idx.add.s32.msk $0xffff, v1;
	(pc) =	sbr.rel @p0 .LBB2_18-.Ltmp8, $4  }
0x1bc: {  	[tilespmem:v8+s11+$0x0] =	vst.idx.add.s32.msk $0xffff, v1  }
0x1bd: {  	[tilespmem:v4+s12+$0x0] =	vst.idx.add.s32.msk $0xffff, v1  }
0x1be: {  	[tilespmem:v2+s12+$0x0] =	vst.idx.add.s32.msk $0xffff, v1  }
0x1bf: {  	[tilespmem:v3+s12+$0x0] =	vst.idx.add.s32.msk $0xffff, v1  }
0x1c0: {  	s19 =	sadd.s32 s19, s7  }
0x1c1: {  	s19 =	sshrl.u32 s19, $0x3  }
0x1c2: {  	s20 =	simm.s32 $0x80;
	s19 =	sadd.s32 s1, s19  }
0x1c3: {  	s21 =	simm.s32 $0x10;
	s22 =	simm.s32 $0x180;
	s23 =	sadd.s32 $0x0, s19  }
.LBB2_16:
0x1c4: {  	[tilespmem:s20], [sflag:$0x2] =	stream.linear.gather [hbm4b:s23+s3], $0x80, $0x38;
	[tilespmem:$0x10800] =	vst v63  }
0x1c5: {  	s23 =	smov.u32 s21;
	s20 =	smov.u32 s22;
	p0 =	sne.s32 s21, $0xFF0  }
.Ltmp9:
0x1c6: {  	s21 =	sadd.s32 $0x10, s21;
	(pc) =	sbr.rel @p0 .LBB2_16-.Ltmp9, $2  }
0x1c7: {  	_ =	sdelay $0x2  }
0x1c8: {  	s22 =	sadd.s32 $0x100, s22;
	s23 =	sadd.s32 s23, s19  }
.Ltmp10:
0x1c9: {  	(pc) =	sbr.rel .LBB2_6-.Ltmp10, $3  }
0x1ca: {  	_ =	sdelay $0x1  }
0x1cb: {  	[tilespmem:s20], [sflag:$0x2] =	stream.linear.gather [hbm4b:s23+s3], $0x80, $0x38;
	[tilespmem:$0x10800] =	vst v63  }
0x1cc: {  	s18 =	sadd.s32 $0x1, s18  }
.LBB2_19:
0x1cd: {  	_ =	sfence.sel $0x180000  }
0x1ce: {  	[bflag:$0x0] =	sbarrier.arrive $0xFFFF  }
0x1cf: {  	p0 =	sne.s32 s2, $0x0;
	_ =	strace $0x90000047  }
0x1d0: {  	s0 =	sadd.s32 @!p0 $0x100000, s0;
	[bflag:$0x2] =	sbarrier.arrive $0xFFFF  }
0x1d1: {  	[sflag:s0] =	ssyncadd.tile.s32 @!p0 $0x1;
	_ =	shalt  }
.Lfunc_end2:
_tile_overlayer_lowered:
.L_overlay_start_2:
0x1d2: {  	(tag) =	ssettag $0x2  }
0x1d3: {  	s0 =	rddreg [dreg:$0x0];
	s2 =	stileid.u32  }
0x1d4: {  	s1 =	rddreg [dreg:$0x1];
	p0 =	sne.s32 s2, $0x0  }
0x1d5: {  	s3 =	rddreg [dreg:$0x2];
	[bflag:$0x3] =	sbarrier.arrive $0xFFFF;
	s2 =	simm.s32 @!p0 $0x1C03  }
0x1d6: {  	[timem:s3], [sflag:s2] =	dma.local @!p0 [hbm:s0], s1  }
0x1d7: {  	s0 =	simm.s32 @!p0 $0x3  }
0x1d8: {  	_ =	swait.ge @!p0 [sflag:s0], s1  }
0x1d9: {  	s1 =	ssub.s32 @!p0 $0x0, s1;
	[sflag:s0] =	ssyncset.done @!p0 $0x0  }
0x1da: {  	[sflag:s0] =	ssyncadd.s32 @!p0 s1  }
0x1db: {  	[bflag:$0x3] =	sbarrier.arrive $0xFFFF  }
0x1dc: {  	_ =	shalt  }

</sc_bundles>
